<compile_context>
chip_gen: v7x
topology: tpu7x:2x2x1
jax: 0.10.2.dev20260603
libtpu: 0.0.44.dev20260713+nightly
codegen_flags: <defaults>
</compile_context>

<pallas_src>
import functools

import jax
import jax.numpy as jnp
from jax import lax
from jax.experimental import pallas as pl
from jax.experimental.pallas import tpu as pltpu
from jax.experimental.pallas import tpu_sc as plsc

V = 104
TOK = 4096 * 200
NC, NS = 2, 16
NW = NC * NS
PERW = TOK // NW
CH = 128
NQ = 8
STEPS = PERW // (CH * NQ)

LBLK = 4096
LG = TOK // LBLK


def _nll_table_body(t_ref, o_ref):
    t = t_ref[...]
    m = jnp.max(t, axis=1, keepdims=True)
    lse = m + jnp.log(jnp.sum(jnp.exp(t - m), axis=1, keepdims=True))
    o_ref[...] = lse - t


def _nll_table(table):
    return pl.pallas_call(
        _nll_table_body,
        out_shape=jax.ShapeDtypeStruct((V, V), jnp.float32),
    )(table)


def _logits_body(idx_ref, tab_ref, o_ref):
    ids = idx_ref[0, 0, :]
    oh = (lax.broadcasted_iota(jnp.int32, (V, LBLK), 0) == ids[None, :]
          ).astype(jnp.float32).astype(jnp.bfloat16)
    o_ref[...] = jax.lax.dot_general(
        tab_ref[...], oh, (((0,), (0,)), ((), ())),
        preferred_element_type=jnp.float32)


def _logits_t(idx3, tab_bf16):
    return pl.pallas_call(
        _logits_body,
        grid=(LG,),
        in_specs=[
            pl.BlockSpec((1, 1, LBLK), lambda i: (i, 0, 0)),
            pl.BlockSpec((V, V), lambda i: (0, 0)),
        ],
        out_specs=pl.BlockSpec((V, LBLK), lambda i: (0, i)),
        out_shape=jax.ShapeDtypeStruct((V, TOK), jnp.float32),
        compiler_params=pltpu.CompilerParams(
            dimension_semantics=("arbitrary",)),
    )(idx3, tab_bf16)


def _sc_body(fidx_hbm, nll_hbm, part_hbm, fidx_v, nv_v, acc_v, sem):
    c = lax.axis_index("c")
    s = lax.axis_index("s")
    wid = s * NC + c
    acc_v[...] = jnp.zeros((16,), jnp.float32)

    def step(i, carry):
        pltpu.sync_copy(fidx_hbm.at[wid, pl.ds(i * NQ, NQ)], fidx_v)
        cps = [
            pltpu.async_copy(nll_hbm.at[fidx_v.at[q]], nv_v.at[q], sem)
            for q in range(NQ)
        ]
        for q in range(NQ):
            cps[q].wait()
            for j in range(CH // 16):
                acc_v[...] = acc_v[...] + nv_v[q, pl.ds(j * 16, 16)]
        return carry

    lax.fori_loop(0, STEPS, step, 0)
    pltpu.sync_copy(acc_v, part_hbm.at[wid])


@functools.partial(
    pl.kernel,
    mesh=plsc.VectorSubcoreMesh(core_axis_name="c", subcore_axis_name="s"),
    out_type=jax.ShapeDtypeStruct((NW, 16), jnp.float32),
    scratch_types=[
        pltpu.VMEM((NQ, CH), jnp.int32),
        pltpu.VMEM((NQ, CH), jnp.float32),
        pltpu.VMEM((16,), jnp.float32),
        pltpu.SemaphoreType.DMA,
    ],
)
def _sc_nll(fidx_hbm, nll_hbm, part_hbm, fidx_v, nv_v, acc_v, sem):
    _sc_body(fidx_hbm, nll_hbm, part_hbm, fidx_v, nv_v, acc_v, sem)


def _loss_body(p_ref, o_ref):
    o_ref[...] = jnp.reshape(jnp.sum(p_ref[...]) * (1.0 / TOK), (1, 1))


def _loss(part):
    return pl.pallas_call(
        _loss_body,
        out_shape=jax.ShapeDtypeStruct((1, 1), jnp.float32),
    )(part)


def kernel(idx, targets, table):
    idx = idx.astype(jnp.int32)
    flat = (idx * V + targets.astype(jnp.int32)).reshape(NW, STEPS * NQ, CH)
    nll_flat = _nll_table(table).reshape(V * V)
    part = _sc_nll(flat, nll_flat)
    logits = jnp.transpose(
        _logits_t(idx.reshape(LG, 1, LBLK), table.astype(jnp.bfloat16)))
    loss = jnp.reshape(_loss(part), ())
    return logits, loss

# --- scband reference (transcript-rebuilt; emitter-appended) ---
"""Pipeline reference for scband-bigram-language-model-927712936117 (READ-ONLY COPY).

The authoritative reference and input builder live on the scoring server;
editing this copy changes nothing except your own understanding.
"""

import jax, jax.numpy as jnp
import numpy as np

VOCAB_SIZE = 104
B, T = 4096, 200

def setup_inputs(seed: int = 0) -> dict:
    key = jax.random.key(seed)
    k1, k2, k3 = jax.random.split(key, 3)
    idx = jax.random.randint(k1, (B, T), 0, VOCAB_SIZE)
    targets = jax.random.randint(k2, (B, T), 0, VOCAB_SIZE)
    table = jax.random.normal(k3, (VOCAB_SIZE, VOCAB_SIZE), dtype=jnp.float32) * 0.02
    return {"idx": idx, "targets": targets, "table": table}

def reference(idx, targets, table):
    # logits = embedding lookup: table[idx] -> [B, T, C]
    logits = jnp.take(table, idx, axis=0)
    Bs, Ts, C = logits.shape
    logits = logits.reshape(Bs * Ts, C)
    tgt = targets.reshape(Bs * Ts)
    # F.cross_entropy with mean reduction
    logp = jax.nn.log_softmax(logits, axis=-1)
    nll = -jnp.take_along_axis(logp, tgt[:, None], axis=1).squeeze(1)
    loss = jnp.mean(nll)
    return (logits, loss)

if __name__ == "__main__":
    import jax
    _d = setup_inputs()
    print(jax.jit(kernel)(*tuple(_d.values())))

</pallas_src>

<mosaic_0001>
#map = affine_map<(d0, d1) -> (0, 0, 0)>
#map1 = affine_map<(d0, d1) -> (0)>
#map2 = affine_map<(d0, d1) -> (0, 0)>
module attributes {stable_mosaic.version = 14 : i64} {
  func.func @_sc_nll(%arg0: i32, %arg1: i32, %arg2: memref<32x200x128xi32, #tpu.memory_space<hbm>>, %arg3: memref<10816xf32, #tpu.memory_space<hbm>>, %arg4: memref<32x16xf32, #tpu.memory_space<hbm>>, %arg5: memref<8x128xi32, #tpu.memory_space<vmem>>, %arg6: memref<8x128xf32, #tpu.memory_space<vmem>>, %arg7: memref<16xf32, #tpu.memory_space<vmem>>, %arg8: memref<!tpu.dma_semaphore, #tpu.memory_space<semaphore_mem>>) attributes {dimension_semantics = [#tpu.dimension_semantics<core_parallel>, #tpu.dimension_semantics<subcore_parallel>], iteration_bounds = array<i64: 2, 16>, scalar_prefetch = 0 : i64, scratch_operands = 4 : i64, tpu.core_type = #tpu.core_type<sc_vector_subcore>, window_params = [{transform_indices = #map}, {transform_indices = #map1}, {transform_indices = #map2}]} {
    %mul3A = arith.constant 2 : i32
    %mul3A_0 = arith.muli %arg1, %mul3A : i32
    %add3A = arith.addi %mul3A_0, %arg0 : i32
    %broadcast_in_dim3A = arith.constant 0.000000e+00 : f32
    %broadcast_in_dim3A_1 = vector.broadcast %broadcast_in_dim3A : f32 to vector<16xf32>
    %swap3A = arith.constant 0 : index
    %swap3A_2 = tpu.vector_load %arg7[%swap3A] {strides = array<i32>} : memref<16xf32, #tpu.memory_space<vmem>>, vector<16xf32>,
    %swap3A_3 = vector.shape_cast %swap3A_2 : vector<16xf32> to vector<16xf32>
    %swap3A_4 = vector.shape_cast %broadcast_in_dim3A_1 : vector<16xf32> to vector<16xf32>
    tpu.vector_store %arg7[%swap3A], %swap3A_4 {strides = array<i32>} : memref<16xf32, #tpu.memory_space<vmem>>, vector<16xf32>,
    %scan3A = arith.constant 0 : i32
    %scan3A_5 = arith.constant 0 : i32
    %scan3A_6 = arith.constant 25 : i32
    %scan3A_7 = arith.addi %scan3A_5, %scan3A_6 : i32
    %scan3A_8 = arith.constant 1 : i32
    scf.for %scan3A_10 = %scan3A_5 to %scan3A_7 step %scan3A_8  : i32 {
      %mul3A_11 = arith.constant 8 : i32
      %mul3A_12 = arith.muli %scan3A_10, %mul3A_11 : i32
      "tpu.region"() ({
        %run_scoped3A = tpu.sem_alloc : memref<!tpu.dma_semaphore, #tpu.memory_space<semaphore_mem>>
        %dma_start3A_1002 = arith.constant 0 : i32
        %dma_start3A_1003 = tpu.memref_slice %arg2[%add3A, %mul3A_12, %dma_start3A_1002] : memref<32x200x128xi32, #tpu.memory_space<hbm>> -> memref<1x8x128xi32, #tpu.memory_space<hbm>>
        %dma_start3A_1004 = tpu.memref_squeeze %dma_start3A_1003 : memref<1x8x128xi32, #tpu.memory_space<hbm>> -> memref<8x128xi32, #tpu.memory_space<hbm>>
        %dma_start3A_1005 = arith.constant 0 : i32
        %dma_start3A_1006 = tpu.memref_slice %arg2[%add3A, %mul3A_12, %dma_start3A_1005] : memref<32x200x128xi32, #tpu.memory_space<hbm>> -> memref<1x8x128xi32, #tpu.memory_space<hbm>>
        %dma_start3A_1007 = tpu.memref_squeeze %dma_start3A_1006 : memref<1x8x128xi32, #tpu.memory_space<hbm>> -> memref<8x128xi32, #tpu.memory_space<hbm>>
        tpu.enqueue_dma source(%dma_start3A_1007 : memref<8x128xi32, #tpu.memory_space<hbm>>) target(%arg5 : memref<8x128xi32, #tpu.memory_space<vmem>>) target_semaphore(%run_scoped3A : memref<!tpu.dma_semaphore, #tpu.memory_space<semaphore_mem>>)
        %dma_wait3A_1008 = arith.constant 0 : i32
        %dma_wait3A_1009 = tpu.memref_slice %arg2[%add3A, %mul3A_12, %dma_wait3A_1008] : memref<32x200x128xi32, #tpu.memory_space<hbm>> -> memref<1x8x128xi32, #tpu.memory_space<hbm>>
        %dma_wait3A_1010 = tpu.memref_squeeze %dma_wait3A_1009 : memref<1x8x128xi32, #tpu.memory_space<hbm>> -> memref<8x128xi32, #tpu.memory_space<hbm>>
        %dma_wait3A_1011 = arith.constant 0 : i32
        %dma_wait3A_1012 = tpu.memref_slice %arg2[%add3A, %mul3A_12, %dma_wait3A_1011] : memref<32x200x128xi32, #tpu.memory_space<hbm>> -> memref<1x8x128xi32, #tpu.memory_space<hbm>>
        %dma_wait3A_1013 = tpu.memref_squeeze %dma_wait3A_1012 : memref<1x8x128xi32, #tpu.memory_space<hbm>> -> memref<8x128xi32, #tpu.memory_space<hbm>>
        tpu.wait_dma2 semaphore(%run_scoped3A : memref<!tpu.dma_semaphore, #tpu.memory_space<semaphore_mem>>) src(%dma_wait3A_1013 : memref<8x128xi32, #tpu.memory_space<hbm>>) dst(%arg5 : memref<8x128xi32, #tpu.memory_space<vmem>>)
        tpu.yield
      }) : () -> ()
      %dma_start3A = arith.constant 0 : i32
      %dma_start3A_13 = arith.constant 0 : i32
      %dma_start3A_14 = arith.constant 0 : i32
      %dma_start3A_15 = tpu.memref_slice %arg6[%dma_start3A_13, %dma_start3A_14] : memref<8x128xf32, #tpu.memory_space<vmem>> -> memref<1x128xf32, #tpu.memory_space<vmem>>
      %dma_start3A_16 = tpu.memref_squeeze %dma_start3A_15 : memref<1x128xf32, #tpu.memory_space<vmem>> -> memref<128xf32, #tpu.memory_space<vmem>>
      %dma_start3A_17 = arith.constant 0 : i32
      %dma_start3A_18 = tpu.memref_slice %arg5[%dma_start3A, %dma_start3A_17] : memref<8x128xi32, #tpu.memory_space<vmem>> -> memref<1x128xi32, #tpu.memory_space<vmem>>
      %dma_start3A_19 = tpu.memref_squeeze %dma_start3A_18 : memref<1x128xi32, #tpu.memory_space<vmem>> -> memref<128xi32, #tpu.memory_space<vmem>>
      %dma_start3A_20 = arith.constant 0 : i32
      %dma_start3A_21 = tpu.memref_slice %arg3[%dma_start3A_20] : memref<10816xf32, #tpu.memory_space<hbm>> -> memref<10816xf32, #tpu.memory_space<hbm>>
      tpu.enqueue_indirect_dma source(%dma_start3A_21 : memref<10816xf32, #tpu.memory_space<hbm>>) target(%dma_start3A_16 : memref<128xf32, #tpu.memory_space<vmem>>) offsets(%dma_start3A_19 : memref<128xi32, #tpu.memory_space<vmem>>) semaphore(%arg8 : memref<!tpu.dma_semaphore, #tpu.memory_space<semaphore_mem>>)
      %dma_start3A_22 = arith.constant 1 : i32
      %dma_start3A_23 = arith.constant 1 : i32
      %dma_start3A_24 = arith.constant 0 : i32
      %dma_start3A_25 = tpu.memref_slice %arg6[%dma_start3A_23, %dma_start3A_24] : memref<8x128xf32, #tpu.memory_space<vmem>> -> memref<1x128xf32, #tpu.memory_space<vmem>>
      %dma_start3A_26 = tpu.memref_squeeze %dma_start3A_25 : memref<1x128xf32, #tpu.memory_space<vmem>> -> memref<128xf32, #tpu.memory_space<vmem>>
      %dma_start3A_27 = arith.constant 0 : i32
      %dma_start3A_28 = tpu.memref_slice %arg5[%dma_start3A_22, %dma_start3A_27] : memref<8x128xi32, #tpu.memory_space<vmem>> -> memref<1x128xi32, #tpu.memory_space<vmem>>
      %dma_start3A_29 = tpu.memref_squeeze %dma_start3A_28 : memref<1x128xi32, #tpu.memory_space<vmem>> -> memref<128xi32, #tpu.memory_space<vmem>>
      %dma_start3A_30 = arith.constant 0 : i32
      %dma_start3A_31 = tpu.memref_slice %arg3[%dma_start3A_30] : memref<10816xf32, #tpu.memory_space<hbm>> -> memref<10816xf32, #tpu.memory_space<hbm>>
      tpu.enqueue_indirect_dma source(%dma_start3A_31 : memref<10816xf32, #tpu.memory_space<hbm>>) target(%dma_start3A_26 : memref<128xf32, #tpu.memory_space<vmem>>) offsets(%dma_start3A_29 : memref<128xi32, #tpu.memory_space<vmem>>) semaphore(%arg8 : memref<!tpu.dma_semaphore, #tpu.memory_space<semaphore_mem>>)
      %dma_start3A_32 = arith.constant 2 : i32
      %dma_start3A_33 = arith.constant 2 : i32
      %dma_start3A_34 = arith.constant 0 : i32
      %dma_start3A_35 = tpu.memref_slice %arg6[%dma_start3A_33, %dma_start3A_34] : memref<8x128xf32, #tpu.memory_space<vmem>> -> memref<1x128xf32, #tpu.memory_space<vmem>>
      %dma_start3A_36 = tpu.memref_squeeze %dma_start3A_35 : memref<1x128xf32, #tpu.memory_space<vmem>> -> memref<128xf32, #tpu.memory_space<vmem>>
      %dma_start3A_37 = arith.constant 0 : i32
      %dma_start3A_38 = tpu.memref_slice %arg5[%dma_start3A_32, %dma_start3A_37] : memref<8x128xi32, #tpu.memory_space<vmem>> -> memref<1x128xi32, #tpu.memory_space<vmem>>
      %dma_start3A_39 = tpu.memref_squeeze %dma_start3A_38 : memref<1x128xi32, #tpu.memory_space<vmem>> -> memref<128xi32, #tpu.memory_space<vmem>>
      %dma_start3A_40 = arith.constant 0 : i32
      %dma_start3A_41 = tpu.memref_slice %arg3[%dma_start3A_40] : memref<10816xf32, #tpu.memory_space<hbm>> -> memref<10816xf32, #tpu.memory_space<hbm>>
      tpu.enqueue_indirect_dma source(%dma_start3A_41 : memref<10816xf32, #tpu.memory_space<hbm>>) target(%dma_start3A_36 : memref<128xf32, #tpu.memory_space<vmem>>) offsets(%dma_start3A_39 : memref<128xi32, #tpu.memory_space<vmem>>) semaphore(%arg8 : memref<!tpu.dma_semaphore, #tpu.memory_space<semaphore_mem>>)
      %dma_start3A_42 = arith.constant 3 : i32
      %dma_start3A_43 = arith.constant 3 : i32
      %dma_start3A_44 = arith.constant 0 : i32
      %dma_start3A_45 = tpu.memref_slice %arg6[%dma_start3A_43, %dma_start3A_44] : memref<8x128xf32, #tpu.memory_space<vmem>> -> memref<1x128xf32, #tpu.memory_space<vmem>>
      %dma_start3A_46 = tpu.memref_squeeze %dma_start3A_45 : memref<1x128xf32, #tpu.memory_space<vmem>> -> memref<128xf32, #tpu.memory_space<vmem>>
      %dma_start3A_47 = arith.constant 0 : i32
      %dma_start3A_48 = tpu.memref_slice %arg5[%dma_start3A_42, %dma_start3A_47] : memref<8x128xi32, #tpu.memory_space<vmem>> -> memref<1x128xi32, #tpu.memory_space<vmem>>
      %dma_start3A_49 = tpu.memref_squeeze %dma_start3A_48 : memref<1x128xi32, #tpu.memory_space<vmem>> -> memref<128xi32, #tpu.memory_space<vmem>>
      %dma_start3A_50 = arith.constant 0 : i32
      %dma_start3A_51 = tpu.memref_slice %arg3[%dma_start3A_50] : memref<10816xf32, #tpu.memory_space<hbm>> -> memref<10816xf32, #tpu.memory_space<hbm>>
      tpu.enqueue_indirect_dma source(%dma_start3A_51 : memref<10816xf32, #tpu.memory_space<hbm>>) target(%dma_start3A_46 : memref<128xf32, #tpu.memory_space<vmem>>) offsets(%dma_start3A_49 : memref<128xi32, #tpu.memory_space<vmem>>) semaphore(%arg8 : memref<!tpu.dma_semaphore, #tpu.memory_space<semaphore_mem>>)
      %dma_start3A_52 = arith.constant 4 : i32
      %dma_start3A_53 = arith.constant 4 : i32
      %dma_start3A_54 = arith.constant 0 : i32
      %dma_start3A_55 = tpu.memref_slice %arg6[%dma_start3A_53, %dma_start3A_54] : memref<8x128xf32, #tpu.memory_space<vmem>> -> memref<1x128xf32, #tpu.memory_space<vmem>>
      %dma_start3A_56 = tpu.memref_squeeze %dma_start3A_55 : memref<1x128xf32, #tpu.memory_space<vmem>> -> memref<128xf32, #tpu.memory_space<vmem>>
      %dma_start3A_57 = arith.constant 0 : i32
      %dma_start3A_58 = tpu.memref_slice %arg5[%dma_start3A_52, %dma_start3A_57] : memref<8x128xi32, #tpu.memory_space<vmem>> -> memref<1x128xi32, #tpu.memory_space<vmem>>
      %dma_start3A_59 = tpu.memref_squeeze %dma_start3A_58 : memref<1x128xi32, #tpu.memory_space<vmem>> -> memref<128xi32, #tpu.memory_space<vmem>>
      %dma_start3A_60 = arith.constant 0 : i32
      %dma_start3A_61 = tpu.memref_slice %arg3[%dma_start3A_60] : memref<10816xf32, #tpu.memory_space<hbm>> -> memref<10816xf32, #tpu.memory_space<hbm>>
      tpu.enqueue_indirect_dma source(%dma_start3A_61 : memref<10816xf32, #tpu.memory_space<hbm>>) target(%dma_start3A_56 : memref<128xf32, #tpu.memory_space<vmem>>) offsets(%dma_start3A_59 : memref<128xi32, #tpu.memory_space<vmem>>) semaphore(%arg8 : memref<!tpu.dma_semaphore, #tpu.memory_space<semaphore_mem>>)
      %dma_start3A_62 = arith.constant 5 : i32
      %dma_start3A_63 = arith.constant 5 : i32
      %dma_start3A_64 = arith.constant 0 : i32
      %dma_start3A_65 = tpu.memref_slice %arg6[%dma_start3A_63, %dma_start3A_64] : memref<8x128xf32, #tpu.memory_space<vmem>> -> memref<1x128xf32, #tpu.memory_space<vmem>>
      %dma_start3A_66 = tpu.memref_squeeze %dma_start3A_65 : memref<1x128xf32, #tpu.memory_space<vmem>> -> memref<128xf32, #tpu.memory_space<vmem>>
      %dma_start3A_67 = arith.constant 0 : i32
      %dma_start3A_68 = tpu.memref_slice %arg5[%dma_start3A_62, %dma_start3A_67] : memref<8x128xi32, #tpu.memory_space<vmem>> -> memref<1x128xi32, #tpu.memory_space<vmem>>
      %dma_start3A_69 = tpu.memref_squeeze %dma_start3A_68 : memref<1x128xi32, #tpu.memory_space<vmem>> -> memref<128xi32, #tpu.memory_space<vmem>>
      %dma_start3A_70 = arith.constant 0 : i32
      %dma_start3A_71 = tpu.memref_slice %arg3[%dma_start3A_70] : memref<10816xf32, #tpu.memory_space<hbm>> -> memref<10816xf32, #tpu.memory_space<hbm>>
      tpu.enqueue_indirect_dma source(%dma_start3A_71 : memref<10816xf32, #tpu.memory_space<hbm>>) target(%dma_start3A_66 : memref<128xf32, #tpu.memory_space<vmem>>) offsets(%dma_start3A_69 : memref<128xi32, #tpu.memory_space<vmem>>) semaphore(%arg8 : memref<!tpu.dma_semaphore, #tpu.memory_space<semaphore_mem>>)
      %dma_start3A_72 = arith.constant 6 : i32
      %dma_start3A_73 = arith.constant 6 : i32
      %dma_start3A_74 = arith.constant 0 : i32
      %dma_start3A_75 = tpu.memref_slice %arg6[%dma_start3A_73, %dma_start3A_74] : memref<8x128xf32, #tpu.memory_space<vmem>> -> memref<1x128xf32, #tpu.memory_space<vmem>>
      %dma_start3A_76 = tpu.memref_squeeze %dma_start3A_75 : memref<1x128xf32, #tpu.memory_space<vmem>> -> memref<128xf32, #tpu.memory_space<vmem>>
      %dma_start3A_77 = arith.constant 0 : i32
      %dma_start3A_78 = tpu.memref_slice %arg5[%dma_start3A_72, %dma_start3A_77] : memref<8x128xi32, #tpu.memory_space<vmem>> -> memref<1x128xi32, #tpu.memory_space<vmem>>
      %dma_start3A_79 = tpu.memref_squeeze %dma_start3A_78 : memref<1x128xi32, #tpu.memory_space<vmem>> -> memref<128xi32, #tpu.memory_space<vmem>>
      %dma_start3A_80 = arith.constant 0 : i32
      %dma_start3A_81 = tpu.memref_slice %arg3[%dma_start3A_80] : memref<10816xf32, #tpu.memory_space<hbm>> -> memref<10816xf32, #tpu.memory_space<hbm>>
      tpu.enqueue_indirect_dma source(%dma_start3A_81 : memref<10816xf32, #tpu.memory_space<hbm>>) target(%dma_start3A_76 : memref<128xf32, #tpu.memory_space<vmem>>) offsets(%dma_start3A_79 : memref<128xi32, #tpu.memory_space<vmem>>) semaphore(%arg8 : memref<!tpu.dma_semaphore, #tpu.memory_space<semaphore_mem>>)
      %dma_start3A_82 = arith.constant 7 : i32
      %dma_start3A_83 = arith.constant 7 : i32
      %dma_start3A_84 = arith.constant 0 : i32
      %dma_start3A_85 = tpu.memref_slice %arg6[%dma_start3A_83, %dma_start3A_84] : memref<8x128xf32, #tpu.memory_space<vmem>> -> memref<1x128xf32, #tpu.memory_space<vmem>>
      %dma_start3A_86 = tpu.memref_squeeze %dma_start3A_85 : memref<1x128xf32, #tpu.memory_space<vmem>> -> memref<128xf32, #tpu.memory_space<vmem>>
      %dma_start3A_87 = arith.constant 0 : i32
      %dma_start3A_88 = tpu.memref_slice %arg5[%dma_start3A_82, %dma_start3A_87] : memref<8x128xi32, #tpu.memory_space<vmem>> -> memref<1x128xi32, #tpu.memory_space<vmem>>
      %dma_start3A_89 = tpu.memref_squeeze %dma_start3A_88 : memref<1x128xi32, #tpu.memory_space<vmem>> -> memref<128xi32, #tpu.memory_space<vmem>>
      %dma_start3A_90 = arith.constant 0 : i32
      %dma_start3A_91 = tpu.memref_slice %arg3[%dma_start3A_90] : memref<10816xf32, #tpu.memory_space<hbm>> -> memref<10816xf32, #tpu.memory_space<hbm>>
      tpu.enqueue_indirect_dma source(%dma_start3A_91 : memref<10816xf32, #tpu.memory_space<hbm>>) target(%dma_start3A_86 : memref<128xf32, #tpu.memory_space<vmem>>) offsets(%dma_start3A_89 : memref<128xi32, #tpu.memory_space<vmem>>) semaphore(%arg8 : memref<!tpu.dma_semaphore, #tpu.memory_space<semaphore_mem>>)
      %dma_wait3A = arith.constant 0 : i32
      %dma_wait3A_92 = arith.constant 0 : i32
      %dma_wait3A_93 = arith.constant 0 : i32
      %dma_wait3A_94 = tpu.memref_slice %arg6[%dma_wait3A_92, %dma_wait3A_93] : memref<8x128xf32, #tpu.memory_space<vmem>> -> memref<1x128xf32, #tpu.memory_space<vmem>>
      %dma_wait3A_95 = tpu.memref_squeeze %dma_wait3A_94 : memref<1x128xf32, #tpu.memory_space<vmem>> -> memref<128xf32, #tpu.memory_space<vmem>>
      %dma_wait3A_96 = arith.constant 0 : i32
      %dma_wait3A_97 = tpu.memref_slice %arg5[%dma_wait3A, %dma_wait3A_96] : memref<8x128xi32, #tpu.memory_space<vmem>> -> memref<1x128xi32, #tpu.memory_space<vmem>>
      %dma_wait3A_98 = tpu.memref_squeeze %dma_wait3A_97 : memref<1x128xi32, #tpu.memory_space<vmem>> -> memref<128xi32, #tpu.memory_space<vmem>>
      %dma_wait3A_99 = arith.constant 0 : i32
      %dma_wait3A_100 = tpu.memref_slice %arg3[%dma_wait3A_99] : memref<10816xf32, #tpu.memory_space<hbm>> -> memref<10816xf32, #tpu.memory_space<hbm>>
      tpu.wait_indirect_dma semaphore(%arg8 : memref<!tpu.dma_semaphore, #tpu.memory_space<semaphore_mem>>) src(%dma_wait3A_100 : memref<10816xf32, #tpu.memory_space<hbm>>) dst(%dma_wait3A_95 : memref<128xf32, #tpu.memory_space<vmem>>)
      %get3A = arith.constant 0 : index
      %get3A_101 = tpu.vector_load %arg7[%get3A] {strides = array<i32>} : memref<16xf32, #tpu.memory_space<vmem>>, vector<16xf32>,
      %get3A_102 = vector.shape_cast %get3A_101 : vector<16xf32> to vector<16xf32>
      %get3A_103 = arith.constant 0 : i32
      %get3A_104 = arith.index_cast %get3A_103 : i32 to index
      %get3A_105 = arith.constant 0 : index
      %get3A_106 = tpu.vector_load %arg6[%get3A_104, %get3A_105] {strides = array<i32>} : memref<8x128xf32, #tpu.memory_space<vmem>>, vector<1x16xf32>,
      %get3A_107 = vector.shape_cast %get3A_106 : vector<1x16xf32> to vector<16xf32>
      %add3A_108 = arith.addf %get3A_102, %get3A_107 : vector<16xf32>
      %swap3A_109 = arith.constant 0 : index
      %swap3A_110 = tpu.vector_load %arg7[%swap3A_109] {strides = array<i32>} : memref<16xf32, #tpu.memory_space<vmem>>, vector<16xf32>,
      %swap3A_111 = vector.shape_cast %swap3A_110 : vector<16xf32> to vector<16xf32>
      %swap3A_112 = vector.shape_cast %add3A_108 : vector<16xf32> to vector<16xf32>
      tpu.vector_store %arg7[%swap3A_109], %swap3A_112 {strides = array<i32>} : memref<16xf32, #tpu.memory_space<vmem>>, vector<16xf32>,
      %get3A_113 = arith.constant 0 : index
      %get3A_114 = tpu.vector_load %arg7[%get3A_113] {strides = array<i32>} : memref<16xf32, #tpu.memory_space<vmem>>, vector<16xf32>,
      %get3A_115 = vector.shape_cast %get3A_114 : vector<16xf32> to vector<16xf32>
      %get3A_116 = arith.constant 0 : i32
      %get3A_117 = arith.index_cast %get3A_116 : i32 to index
      %get3A_118 = arith.constant 16 : index
      %get3A_119 = tpu.vector_load %arg6[%get3A_117, %get3A_118] {strides = array<i32>} : memref<8x128xf32, #tpu.memory_space<vmem>>, vector<1x16xf32>,
      %get3A_120 = vector.shape_cast %get3A_119 : vector<1x16xf32> to vector<16xf32>
      %add3A_121 = arith.addf %get3A_115, %get3A_120 : vector<16xf32>
      %swap3A_122 = arith.constant 0 : index
      %swap3A_123 = tpu.vector_load %arg7[%swap3A_122] {strides = array<i32>} : memref<16xf32, #tpu.memory_space<vmem>>, vector<16xf32>,
      %swap3A_124 = vector.shape_cast %swap3A_123 : vector<16xf32> to vector<16xf32>
      %swap3A_125 = vector.shape_cast %add3A_121 : vector<16xf32> to vector<16xf32>
      tpu.vector_store %arg7[%swap3A_122], %swap3A_125 {strides = array<i32>} : memref<16xf32, #tpu.memory_space<vmem>>, vector<16xf32>,
      %get3A_126 = arith.constant 0 : index
      %get3A_127 = tpu.vector_load %arg7[%get3A_126] {strides = array<i32>} : memref<16xf32, #tpu.memory_space<vmem>>, vector<16xf32>,
      %get3A_128 = vector.shape_cast %get3A_127 : vector<16xf32> to vector<16xf32>
      %get3A_129 = arith.constant 0 : i32
      %get3A_130 = arith.index_cast %get3A_129 : i32 to index
      %get3A_131 = arith.constant 32 : index
      %get3A_132 = tpu.vector_load %arg6[%get3A_130, %get3A_131] {strides = array<i32>} : memref<8x128xf32, #tpu.memory_space<vmem>>, vector<1x16xf32>,
      %get3A_133 = vector.shape_cast %get3A_132 : vector<1x16xf32> to vector<16xf32>
      %add3A_134 = arith.addf %get3A_128, %get3A_133 : vector<16xf32>
      %swap3A_135 = arith.constant 0 : index
      %swap3A_136 = tpu.vector_load %arg7[%swap3A_135] {strides = array<i32>} : memref<16xf32, #tpu.memory_space<vmem>>, vector<16xf32>,
      %swap3A_137 = vector.shape_cast %swap3A_136 : vector<16xf32> to vector<16xf32>
      %swap3A_138 = vector.shape_cast %add3A_134 : vector<16xf32> to vector<16xf32>
      tpu.vector_store %arg7[%swap3A_135], %swap3A_138 {strides = array<i32>} : memref<16xf32, #tpu.memory_space<vmem>>, vector<16xf32>,
      %get3A_139 = arith.constant 0 : index
      %get3A_140 = tpu.vector_load %arg7[%get3A_139] {strides = array<i32>} : memref<16xf32, #tpu.memory_space<vmem>>, vector<16xf32>,
      %get3A_141 = vector.shape_cast %get3A_140 : vector<16xf32> to vector<16xf32>
      %get3A_142 = arith.constant 0 : i32
      %get3A_143 = arith.index_cast %get3A_142 : i32 to index
      %get3A_144 = arith.constant 48 : index
      %get3A_145 = tpu.vector_load %arg6[%get3A_143, %get3A_144] {strides = array<i32>} : memref<8x128xf32, #tpu.memory_space<vmem>>, vector<1x16xf32>,
      %get3A_146 = vector.shape_cast %get3A_145 : vector<1x16xf32> to vector<16xf32>
      %add3A_147 = arith.addf %get3A_141, %get3A_146 : vector<16xf32>
      %swap3A_148 = arith.constant 0 : index
      %swap3A_149 = tpu.vector_load %arg7[%swap3A_148] {strides = array<i32>} : memref<16xf32, #tpu.memory_space<vmem>>, vector<16xf32>,
      %swap3A_150 = vector.shape_cast %swap3A_149 : vector<16xf32> to vector<16xf32>
      %swap3A_151 = vector.shape_cast %add3A_147 : vector<16xf32> to vector<16xf32>
      tpu.vector_store %arg7[%swap3A_148], %swap3A_151 {strides = array<i32>} : memref<16xf32, #tpu.memory_space<vmem>>, vector<16xf32>,
      %get3A_152 = arith.constant 0 : index
      %get3A_153 = tpu.vector_load %arg7[%get3A_152] {strides = array<i32>} : memref<16xf32, #tpu.memory_space<vmem>>, vector<16xf32>,
      %get3A_154 = vector.shape_cast %get3A_153 : vector<16xf32> to vector<16xf32>
      %get3A_155 = arith.constant 0 : i32
      %get3A_156 = arith.index_cast %get3A_155 : i32 to index
      %get3A_157 = arith.constant 64 : index
      %get3A_158 = tpu.vector_load %arg6[%get3A_156, %get3A_157] {strides = array<i32>} : memref<8x128xf32, #tpu.memory_space<vmem>>, vector<1x16xf32>,
      %get3A_159 = vector.shape_cast %get3A_158 : vector<1x16xf32> to vector<16xf32>
      %add3A_160 = arith.addf %get3A_154, %get3A_159 : vector<16xf32>
      %swap3A_161 = arith.constant 0 : index
      %swap3A_162 = tpu.vector_load %arg7[%swap3A_161] {strides = array<i32>} : memref<16xf32, #tpu.memory_space<vmem>>, vector<16xf32>,
      %swap3A_163 = vector.shape_cast %swap3A_162 : vector<16xf32> to vector<16xf32>
      %swap3A_164 = vector.shape_cast %add3A_160 : vector<16xf32> to vector<16xf32>
      tpu.vector_store %arg7[%swap3A_161], %swap3A_164 {strides = array<i32>} : memref<16xf32, #tpu.memory_space<vmem>>, vector<16xf32>,
      %get3A_165 = arith.constant 0 : index
      %get3A_166 = tpu.vector_load %arg7[%get3A_165] {strides = array<i32>} : memref<16xf32, #tpu.memory_space<vmem>>, vector<16xf32>,
      %get3A_167 = vector.shape_cast %get3A_166 : vector<16xf32> to vector<16xf32>
      %get3A_168 = arith.constant 0 : i32
      %get3A_169 = arith.index_cast %get3A_168 : i32 to index
      %get3A_170 = arith.constant 80 : index
      %get3A_171 = tpu.vector_load %arg6[%get3A_169, %get3A_170] {strides = array<i32>} : memref<8x128xf32, #tpu.memory_space<vmem>>, vector<1x16xf32>,
      %get3A_172 = vector.shape_cast %get3A_171 : vector<1x16xf32> to vector<16xf32>
      %add3A_173 = arith.addf %get3A_167, %get3A_172 : vector<16xf32>
      %swap3A_174 = arith.constant 0 : index
      %swap3A_175 = tpu.vector_load %arg7[%swap3A_174] {strides = array<i32>} : memref<16xf32, #tpu.memory_space<vmem>>, vector<16xf32>,
      %swap3A_176 = vector.shape_cast %swap3A_175 : vector<16xf32> to vector<16xf32>
      %swap3A_177 = vector.shape_cast %add3A_173 : vector<16xf32> to vector<16xf32>
      tpu.vector_store %arg7[%swap3A_174], %swap3A_177 {strides = array<i32>} : memref<16xf32, #tpu.memory_space<vmem>>, vector<16xf32>,
      %get3A_178 = arith.constant 0 : index
      %get3A_179 = tpu.vector_load %arg7[%get3A_178] {strides = array<i32>} : memref<16xf32, #tpu.memory_space<vmem>>, vector<16xf32>,
      %get3A_180 = vector.shape_cast %get3A_179 : vector<16xf32> to vector<16xf32>
      %get3A_181 = arith.constant 0 : i32
      %get3A_182 = arith.index_cast %get3A_181 : i32 to index
      %get3A_183 = arith.constant 96 : index
      %get3A_184 = tpu.vector_load %arg6[%get3A_182, %get3A_183] {strides = array<i32>} : memref<8x128xf32, #tpu.memory_space<vmem>>, vector<1x16xf32>,
      %get3A_185 = vector.shape_cast %get3A_184 : vector<1x16xf32> to vector<16xf32>
      %add3A_186 = arith.addf %get3A_180, %get3A_185 : vector<16xf32>
      %swap3A_187 = arith.constant 0 : index
      %swap3A_188 = tpu.vector_load %arg7[%swap3A_187] {strides = array<i32>} : memref<16xf32, #tpu.memory_space<vmem>>, vector<16xf32>,
      %swap3A_189 = vector.shape_cast %swap3A_188 : vector<16xf32> to vector<16xf32>
      %swap3A_190 = vector.shape_cast %add3A_186 : vector<16xf32> to vector<16xf32>
      tpu.vector_store %arg7[%swap3A_187], %swap3A_190 {strides = array<i32>} : memref<16xf32, #tpu.memory_space<vmem>>, vector<16xf32>,
      %get3A_191 = arith.constant 0 : index
      %get3A_192 = tpu.vector_load %arg7[%get3A_191] {strides = array<i32>} : memref<16xf32, #tpu.memory_space<vmem>>, vector<16xf32>,
      %get3A_193 = vector.shape_cast %get3A_192 : vector<16xf32> to vector<16xf32>
      %get3A_194 = arith.constant 0 : i32
      %get3A_195 = arith.index_cast %get3A_194 : i32 to index
      %get3A_196 = arith.constant 112 : index
      %get3A_197 = tpu.vector_load %arg6[%get3A_195, %get3A_196] {strides = array<i32>} : memref<8x128xf32, #tpu.memory_space<vmem>>, vector<1x16xf32>,
      %get3A_198 = vector.shape_cast %get3A_197 : vector<1x16xf32> to vector<16xf32>
      %add3A_199 = arith.addf %get3A_193, %get3A_198 : vector<16xf32>
      %swap3A_200 = arith.constant 0 : index
      %swap3A_201 = tpu.vector_load %arg7[%swap3A_200] {strides = array<i32>} : memref<16xf32, #tpu.memory_space<vmem>>, vector<16xf32>,
      %swap3A_202 = vector.shape_cast %swap3A_201 : vector<16xf32> to vector<16xf32>
      %swap3A_203 = vector.shape_cast %add3A_199 : vector<16xf32> to vector<16xf32>
      tpu.vector_store %arg7[%swap3A_200], %swap3A_203 {strides = array<i32>} : memref<16xf32, #tpu.memory_space<vmem>>, vector<16xf32>,
      %dma_wait3A_204 = arith.constant 1 : i32
      %dma_wait3A_205 = arith.constant 1 : i32
      %dma_wait3A_206 = arith.constant 0 : i32
      %dma_wait3A_207 = tpu.memref_slice %arg6[%dma_wait3A_205, %dma_wait3A_206] : memref<8x128xf32, #tpu.memory_space<vmem>> -> memref<1x128xf32, #tpu.memory_space<vmem>>
      %dma_wait3A_208 = tpu.memref_squeeze %dma_wait3A_207 : memref<1x128xf32, #tpu.memory_space<vmem>> -> memref<128xf32, #tpu.memory_space<vmem>>
      %dma_wait3A_209 = arith.constant 0 : i32
      %dma_wait3A_210 = tpu.memref_slice %arg5[%dma_wait3A_204, %dma_wait3A_209] : memref<8x128xi32, #tpu.memory_space<vmem>> -> memref<1x128xi32, #tpu.memory_space<vmem>>
      %dma_wait3A_211 = tpu.memref_squeeze %dma_wait3A_210 : memref<1x128xi32, #tpu.memory_space<vmem>> -> memref<128xi32, #tpu.memory_space<vmem>>
      %dma_wait3A_212 = arith.constant 0 : i32
      %dma_wait3A_213 = tpu.memref_slice %arg3[%dma_wait3A_212] : memref<10816xf32, #tpu.memory_space<hbm>> -> memref<10816xf32, #tpu.memory_space<hbm>>
      tpu.wait_indirect_dma semaphore(%arg8 : memref<!tpu.dma_semaphore, #tpu.memory_space<semaphore_mem>>) src(%dma_wait3A_213 : memref<10816xf32, #tpu.memory_space<hbm>>) dst(%dma_wait3A_208 : memref<128xf32, #tpu.memory_space<vmem>>)
      %get3A_214 = arith.constant 0 : index
      %get3A_215 = tpu.vector_load %arg7[%get3A_214] {strides = array<i32>} : memref<16xf32, #tpu.memory_space<vmem>>, vector<16xf32>,
      %get3A_216 = vector.shape_cast %get3A_215 : vector<16xf32> to vector<16xf32>
      %get3A_217 = arith.constant 1 : i32
      %get3A_218 = arith.index_cast %get3A_217 : i32 to index
      %get3A_219 = arith.constant 0 : index
      %get3A_220 = tpu.vector_load %arg6[%get3A_218, %get3A_219] {strides = array<i32>} : memref<8x128xf32, #tpu.memory_space<vmem>>, vector<1x16xf32>,
      %get3A_221 = vector.shape_cast %get3A_220 : vector<1x16xf32> to vector<16xf32>
      %add3A_222 = arith.addf %get3A_216, %get3A_221 : vector<16xf32>
      %swap3A_223 = arith.constant 0 : index
      %swap3A_224 = tpu.vector_load %arg7[%swap3A_223] {strides = array<i32>} : memref<16xf32, #tpu.memory_space<vmem>>, vector<16xf32>,
      %swap3A_225 = vector.shape_cast %swap3A_224 : vector<16xf32> to vector<16xf32>
      %swap3A_226 = vector.shape_cast %add3A_222 : vector<16xf32> to vector<16xf32>
      tpu.vector_store %arg7[%swap3A_223], %swap3A_226 {strides = array<i32>} : memref<16xf32, #tpu.memory_space<vmem>>, vector<16xf32>,
      %get3A_227 = arith.constant 0 : index
      %get3A_228 = tpu.vector_load %arg7[%get3A_227] {strides = array<i32>} : memref<16xf32, #tpu.memory_space<vmem>>, vector<16xf32>,
      %get3A_229 = vector.shape_cast %get3A_228 : vector<16xf32> to vector<16xf32>
      %get3A_230 = arith.constant 1 : i32
      %get3A_231 = arith.index_cast %get3A_230 : i32 to index
      %get3A_232 = arith.constant 16 : index
      %get3A_233 = tpu.vector_load %arg6[%get3A_231, %get3A_232] {strides = array<i32>} : memref<8x128xf32, #tpu.memory_space<vmem>>, vector<1x16xf32>,
      %get3A_234 = vector.shape_cast %get3A_233 : vector<1x16xf32> to vector<16xf32>
      %add3A_235 = arith.addf %get3A_229, %get3A_234 : vector<16xf32>
      %swap3A_236 = arith.constant 0 : index
      %swap3A_237 = tpu.vector_load %arg7[%swap3A_236] {strides = array<i32>} : memref<16xf32, #tpu.memory_space<vmem>>, vector<16xf32>,
      %swap3A_238 = vector.shape_cast %swap3A_237 : vector<16xf32> to vector<16xf32>
      %swap3A_239 = vector.shape_cast %add3A_235 : vector<16xf32> to vector<16xf32>
      tpu.vector_store %arg7[%swap3A_236], %swap3A_239 {strides = array<i32>} : memref<16xf32, #tpu.memory_space<vmem>>, vector<16xf32>,
      %get3A_240 = arith.constant 0 : index
      %get3A_241 = tpu.vector_load %arg7[%get3A_240] {strides = array<i32>} : memref<16xf32, #tpu.memory_space<vmem>>, vector<16xf32>,
      %get3A_242 = vector.shape_cast %get3A_241 : vector<16xf32> to vector<16xf32>
      %get3A_243 = arith.constant 1 : i32
      %get3A_244 = arith.index_cast %get3A_243 : i32 to index
      %get3A_245 = arith.constant 32 : index
      %get3A_246 = tpu.vector_load %arg6[%get3A_244, %get3A_245] {strides = array<i32>} : memref<8x128xf32, #tpu.memory_space<vmem>>, vector<1x16xf32>,
      %get3A_247 = vector.shape_cast %get3A_246 : vector<1x16xf32> to vector<16xf32>
      %add3A_248 = arith.addf %get3A_242, %get3A_247 : vector<16xf32>
      %swap3A_249 = arith.constant 0 : index
      %swap3A_250 = tpu.vector_load %arg7[%swap3A_249] {strides = array<i32>} : memref<16xf32, #tpu.memory_space<vmem>>, vector<16xf32>,
      %swap3A_251 = vector.shape_cast %swap3A_250 : vector<16xf32> to vector<16xf32>
      %swap3A_252 = vector.shape_cast %add3A_248 : vector<16xf32> to vector<16xf32>
      tpu.vector_store %arg7[%swap3A_249], %swap3A_252 {strides = array<i32>} : memref<16xf32, #tpu.memory_space<vmem>>, vector<16xf32>,
      %get3A_253 = arith.constant 0 : index
      %get3A_254 = tpu.vector_load %arg7[%get3A_253] {strides = array<i32>} : memref<16xf32, #tpu.memory_space<vmem>>, vector<16xf32>,
      %get3A_255 = vector.shape_cast %get3A_254 : vector<16xf32> to vector<16xf32>
      %get3A_256 = arith.constant 1 : i32
      %get3A_257 = arith.index_cast %get3A_256 : i32 to index
      %get3A_258 = arith.constant 48 : index
      %get3A_259 = tpu.vector_load %arg6[%get3A_257, %get3A_258] {strides = array<i32>} : memref<8x128xf32, #tpu.memory_space<vmem>>, vector<1x16xf32>,
      %get3A_260 = vector.shape_cast %get3A_259 : vector<1x16xf32> to vector<16xf32>
      %add3A_261 = arith.addf %get3A_255, %get3A_260 : vector<16xf32>
      %swap3A_262 = arith.constant 0 : index
      %swap3A_263 = tpu.vector_load %arg7[%swap3A_262] {strides = array<i32>} : memref<16xf32, #tpu.memory_space<vmem>>, vector<16xf32>,
      %swap3A_264 = vector.shape_cast %swap3A_263 : vector<16xf32> to vector<16xf32>
      %swap3A_265 = vector.shape_cast %add3A_261 : vector<16xf32> to vector<16xf32>
      tpu.vector_store %arg7[%swap3A_262], %swap3A_265 {strides = array<i32>} : memref<16xf32, #tpu.memory_space<vmem>>, vector<16xf32>,
      %get3A_266 = arith.constant 0 : index
      %get3A_267 = tpu.vector_load %arg7[%get3A_266] {strides = array<i32>} : memref<16xf32, #tpu.memory_space<vmem>>, vector<16xf32>,
      %get3A_268 = vector.shape_cast %get3A_267 : vector<16xf32> to vector<16xf32>
      %get3A_269 = arith.constant 1 : i32
      %get3A_270 = arith.index_cast %get3A_269 : i32 to index
      %get3A_271 = arith.constant 64 : index
      %get3A_272 = tpu.vector_load %arg6[%get3A_270, %get3A_271] {strides = array<i32>} : memref<8x128xf32, #tpu.memory_space<vmem>>, vector<1x16xf32>,
      %get3A_273 = vector.shape_cast %get3A_272 : vector<1x16xf32> to vector<16xf32>
      %add3A_274 = arith.addf %get3A_268, %get3A_273 : vector<16xf32>
      %swap3A_275 = arith.constant 0 : index
      %swap3A_276 = tpu.vector_load %arg7[%swap3A_275] {strides = array<i32>} : memref<16xf32, #tpu.memory_space<vmem>>, vector<16xf32>,
      %swap3A_277 = vector.shape_cast %swap3A_276 : vector<16xf32> to vector<16xf32>
      %swap3A_278 = vector.shape_cast %add3A_274 : vector<16xf32> to vector<16xf32>
      tpu.vector_store %arg7[%swap3A_275], %swap3A_278 {strides = array<i32>} : memref<16xf32, #tpu.memory_space<vmem>>, vector<16xf32>,
      %get3A_279 = arith.constant 0 : index
      %get3A_280 = tpu.vector_load %arg7[%get3A_279] {strides = array<i32>} : memref<16xf32, #tpu.memory_space<vmem>>, vector<16xf32>,
      %get3A_281 = vector.shape_cast %get3A_280 : vector<16xf32> to vector<16xf32>
      %get3A_282 = arith.constant 1 : i32
      %get3A_283 = arith.index_cast %get3A_282 : i32 to index
      %get3A_284 = arith.constant 80 : index
      %get3A_285 = tpu.vector_load %arg6[%get3A_283, %get3A_284] {strides = array<i32>} : memref<8x128xf32, #tpu.memory_space<vmem>>, vector<1x16xf32>,
      %get3A_286 = vector.shape_cast %get3A_285 : vector<1x16xf32> to vector<16xf32>
      %add3A_287 = arith.addf %get3A_281, %get3A_286 : vector<16xf32>
      %swap3A_288 = arith.constant 0 : index
      %swap3A_289 = tpu.vector_load %arg7[%swap3A_288] {strides = array<i32>} : memref<16xf32, #tpu.memory_space<vmem>>, vector<16xf32>,
      %swap3A_290 = vector.shape_cast %swap3A_289 : vector<16xf32> to vector<16xf32>
      %swap3A_291 = vector.shape_cast %add3A_287 : vector<16xf32> to vector<16xf32>
      tpu.vector_store %arg7[%swap3A_288], %swap3A_291 {strides = array<i32>} : memref<16xf32, #tpu.memory_space<vmem>>, vector<16xf32>,
      %get3A_292 = arith.constant 0 : index
      %get3A_293 = tpu.vector_load %arg7[%get3A_292] {strides = array<i32>} : memref<16xf32, #tpu.memory_space<vmem>>, vector<16xf32>,
      %get3A_294 = vector.shape_cast %get3A_293 : vector<16xf32> to vector<16xf32>
      %get3A_295 = arith.constant 1 : i32
      %get3A_296 = arith.index_cast %get3A_295 : i32 to index
      %get3A_297 = arith.constant 96 : index
      %get3A_298 = tpu.vector_load %arg6[%get3A_296, %get3A_297] {strides = array<i32>} : memref<8x128xf32, #tpu.memory_space<vmem>>, vector<1x16xf32>,
      %get3A_299 = vector.shape_cast %get3A_298 : vector<1x16xf32> to vector<16xf32>
      %add3A_300 = arith.addf %get3A_294, %get3A_299 : vector<16xf32>
      %swap3A_301 = arith.constant 0 : index
      %swap3A_302 = tpu.vector_load %arg7[%swap3A_301] {strides = array<i32>} : memref<16xf32, #tpu.memory_space<vmem>>, vector<16xf32>,
      %swap3A_303 = vector.shape_cast %swap3A_302 : vector<16xf32> to vector<16xf32>
      %swap3A_304 = vector.shape_cast %add3A_300 : vector<16xf32> to vector<16xf32>
      tpu.vector_store %arg7[%swap3A_301], %swap3A_304 {strides = array<i32>} : memref<16xf32, #tpu.memory_space<vmem>>, vector<16xf32>,
      %get3A_305 = arith.constant 0 : index
      %get3A_306 = tpu.vector_load %arg7[%get3A_305] {strides = array<i32>} : memref<16xf32, #tpu.memory_space<vmem>>, vector<16xf32>,
      %get3A_307 = vector.shape_cast %get3A_306 : vector<16xf32> to vector<16xf32>
      %get3A_308 = arith.constant 1 : i32
      %get3A_309 = arith.index_cast %get3A_308 : i32 to index
      %get3A_310 = arith.constant 112 : index
      %get3A_311 = tpu.vector_load %arg6[%get3A_309, %get3A_310] {strides = array<i32>} : memref<8x128xf32, #tpu.memory_space<vmem>>, vector<1x16xf32>,
      %get3A_312 = vector.shape_cast %get3A_311 : vector<1x16xf32> to vector<16xf32>
      %add3A_313 = arith.addf %get3A_307, %get3A_312 : vector<16xf32>
      %swap3A_314 = arith.constant 0 : index
      %swap3A_315 = tpu.vector_load %arg7[%swap3A_314] {strides = array<i32>} : memref<16xf32, #tpu.memory_space<vmem>>, vector<16xf32>,
      %swap3A_316 = vector.shape_cast %swap3A_315 : vector<16xf32> to vector<16xf32>
      %swap3A_317 = vector.shape_cast %add3A_313 : vector<16xf32> to vector<16xf32>
      tpu.vector_store %arg7[%swap3A_314], %swap3A_317 {strides = array<i32>} : memref<16xf32, #tpu.memory_space<vmem>>, vector<16xf32>,
      %dma_wait3A_318 = arith.constant 2 : i32
      %dma_wait3A_319 = arith.constant 2 : i32
      %dma_wait3A_320 = arith.constant 0 : i32
      %dma_wait3A_321 = tpu.memref_slice %arg6[%dma_wait3A_319, %dma_wait3A_320] : memref<8x128xf32, #tpu.memory_space<vmem>> -> memref<1x128xf32, #tpu.memory_space<vmem>>
      %dma_wait3A_322 = tpu.memref_squeeze %dma_wait3A_321 : memref<1x128xf32, #tpu.memory_space<vmem>> -> memref<128xf32, #tpu.memory_space<vmem>>
      %dma_wait3A_323 = arith.constant 0 : i32
      %dma_wait3A_324 = tpu.memref_slice %arg5[%dma_wait3A_318, %dma_wait3A_323] : memref<8x128xi32, #tpu.memory_space<vmem>> -> memref<1x128xi32, #tpu.memory_space<vmem>>
      %dma_wait3A_325 = tpu.memref_squeeze %dma_wait3A_324 : memref<1x128xi32, #tpu.memory_space<vmem>> -> memref<128xi32, #tpu.memory_space<vmem>>
      %dma_wait3A_326 = arith.constant 0 : i32
      %dma_wait3A_327 = tpu.memref_slice %arg3[%dma_wait3A_326] : memref<10816xf32, #tpu.memory_space<hbm>> -> memref<10816xf32, #tpu.memory_space<hbm>>
      tpu.wait_indirect_dma semaphore(%arg8 : memref<!tpu.dma_semaphore, #tpu.memory_space<semaphore_mem>>) src(%dma_wait3A_327 : memref<10816xf32, #tpu.memory_space<hbm>>) dst(%dma_wait3A_322 : memref<128xf32, #tpu.memory_space<vmem>>)
      %get3A_328 = arith.constant 0 : index
      %get3A_329 = tpu.vector_load %arg7[%get3A_328] {strides = array<i32>} : memref<16xf32, #tpu.memory_space<vmem>>, vector<16xf32>,
      %get3A_330 = vector.shape_cast %get3A_329 : vector<16xf32> to vector<16xf32>
      %get3A_331 = arith.constant 2 : i32
      %get3A_332 = arith.index_cast %get3A_331 : i32 to index
      %get3A_333 = arith.constant 0 : index
      %get3A_334 = tpu.vector_load %arg6[%get3A_332, %get3A_333] {strides = array<i32>} : memref<8x128xf32, #tpu.memory_space<vmem>>, vector<1x16xf32>,
      %get3A_335 = vector.shape_cast %get3A_334 : vector<1x16xf32> to vector<16xf32>
      %add3A_336 = arith.addf %get3A_330, %get3A_335 : vector<16xf32>
      %swap3A_337 = arith.constant 0 : index
      %swap3A_338 = tpu.vector_load %arg7[%swap3A_337] {strides = array<i32>} : memref<16xf32, #tpu.memory_space<vmem>>, vector<16xf32>,
      %swap3A_339 = vector.shape_cast %swap3A_338 : vector<16xf32> to vector<16xf32>
      %swap3A_340 = vector.shape_cast %add3A_336 : vector<16xf32> to vector<16xf32>
      tpu.vector_store %arg7[%swap3A_337], %swap3A_340 {strides = array<i32>} : memref<16xf32, #tpu.memory_space<vmem>>, vector<16xf32>,
      %get3A_341 = arith.constant 0 : index
      %get3A_342 = tpu.vector_load %arg7[%get3A_341] {strides = array<i32>} : memref<16xf32, #tpu.memory_space<vmem>>, vector<16xf32>,
      %get3A_343 = vector.shape_cast %get3A_342 : vector<16xf32> to vector<16xf32>
      %get3A_344 = arith.constant 2 : i32
      %get3A_345 = arith.index_cast %get3A_344 : i32 to index
      %get3A_346 = arith.constant 16 : index
      %get3A_347 = tpu.vector_load %arg6[%get3A_345, %get3A_346] {strides = array<i32>} : memref<8x128xf32, #tpu.memory_space<vmem>>, vector<1x16xf32>,
      %get3A_348 = vector.shape_cast %get3A_347 : vector<1x16xf32> to vector<16xf32>
      %add3A_349 = arith.addf %get3A_343, %get3A_348 : vector<16xf32>
      %swap3A_350 = arith.constant 0 : index
      %swap3A_351 = tpu.vector_load %arg7[%swap3A_350] {strides = array<i32>} : memref<16xf32, #tpu.memory_space<vmem>>, vector<16xf32>,
      %swap3A_352 = vector.shape_cast %swap3A_351 : vector<16xf32> to vector<16xf32>
      %swap3A_353 = vector.shape_cast %add3A_349 : vector<16xf32> to vector<16xf32>
      tpu.vector_store %arg7[%swap3A_350], %swap3A_353 {strides = array<i32>} : memref<16xf32, #tpu.memory_space<vmem>>, vector<16xf32>,
      %get3A_354 = arith.constant 0 : index
      %get3A_355 = tpu.vector_load %arg7[%get3A_354] {strides = array<i32>} : memref<16xf32, #tpu.memory_space<vmem>>, vector<16xf32>,
      %get3A_356 = vector.shape_cast %get3A_355 : vector<16xf32> to vector<16xf32>
      %get3A_357 = arith.constant 2 : i32
      %get3A_358 = arith.index_cast %get3A_357 : i32 to index
      %get3A_359 = arith.constant 32 : index
      %get3A_360 = tpu.vector_load %arg6[%get3A_358, %get3A_359] {strides = array<i32>} : memref<8x128xf32, #tpu.memory_space<vmem>>, vector<1x16xf32>,
      %get3A_361 = vector.shape_cast %get3A_360 : vector<1x16xf32> to vector<16xf32>
      %add3A_362 = arith.addf %get3A_356, %get3A_361 : vector<16xf32>
      %swap3A_363 = arith.constant 0 : index
      %swap3A_364 = tpu.vector_load %arg7[%swap3A_363] {strides = array<i32>} : memref<16xf32, #tpu.memory_space<vmem>>, vector<16xf32>,
      %swap3A_365 = vector.shape_cast %swap3A_364 : vector<16xf32> to vector<16xf32>
      %swap3A_366 = vector.shape_cast %add3A_362 : vector<16xf32> to vector<16xf32>
      tpu.vector_store %arg7[%swap3A_363], %swap3A_366 {strides = array<i32>} : memref<16xf32, #tpu.memory_space<vmem>>, vector<16xf32>,
      %get3A_367 = arith.constant 0 : index
      %get3A_368 = tpu.vector_load %arg7[%get3A_367] {strides = array<i32>} : memref<16xf32, #tpu.memory_space<vmem>>, vector<16xf32>,
      %get3A_369 = vector.shape_cast %get3A_368 : vector<16xf32> to vector<16xf32>
      %get3A_370 = arith.constant 2 : i32
      %get3A_371 = arith.index_cast %get3A_370 : i32 to index
      %get3A_372 = arith.constant 48 : index
      %get3A_373 = tpu.vector_load %arg6[%get3A_371, %get3A_372] {strides = array<i32>} : memref<8x128xf32, #tpu.memory_space<vmem>>, vector<1x16xf32>,
      %get3A_374 = vector.shape_cast %get3A_373 : vector<1x16xf32> to vector<16xf32>
      %add3A_375 = arith.addf %get3A_369, %get3A_374 : vector<16xf32>
      %swap3A_376 = arith.constant 0 : index
      %swap3A_377 = tpu.vector_load %arg7[%swap3A_376] {strides = array<i32>} : memref<16xf32, #tpu.memory_space<vmem>>, vector<16xf32>,
      %swap3A_378 = vector.shape_cast %swap3A_377 : vector<16xf32> to vector<16xf32>
      %swap3A_379 = vector.shape_cast %add3A_375 : vector<16xf32> to vector<16xf32>
      tpu.vector_store %arg7[%swap3A_376], %swap3A_379 {strides = array<i32>} : memref<16xf32, #tpu.memory_space<vmem>>, vector<16xf32>,
      %get3A_380 = arith.constant 0 : index
      %get3A_381 = tpu.vector_load %arg7[%get3A_380] {strides = array<i32>} : memref<16xf32, #tpu.memory_space<vmem>>, vector<16xf32>,
      %get3A_382 = vector.shape_cast %get3A_381 : vector<16xf32> to vector<16xf32>
      %get3A_383 = arith.constant 2 : i32
      %get3A_384 = arith.index_cast %get3A_383 : i32 to index
      %get3A_385 = arith.constant 64 : index
      %get3A_386 = tpu.vector_load %arg6[%get3A_384, %get3A_385] {strides = array<i32>} : memref<8x128xf32, #tpu.memory_space<vmem>>, vector<1x16xf32>,
      %get3A_387 = vector.shape_cast %get3A_386 : vector<1x16xf32> to vector<16xf32>
      %add3A_388 = arith.addf %get3A_382, %get3A_387 : vector<16xf32>
      %swap3A_389 = arith.constant 0 : index
      %swap3A_390 = tpu.vector_load %arg7[%swap3A_389] {strides = array<i32>} : memref<16xf32, #tpu.memory_space<vmem>>, vector<16xf32>,
      %swap3A_391 = vector.shape_cast %swap3A_390 : vector<16xf32> to vector<16xf32>
      %swap3A_392 = vector.shape_cast %add3A_388 : vector<16xf32> to vector<16xf32>
      tpu.vector_store %arg7[%swap3A_389], %swap3A_392 {strides = array<i32>} : memref<16xf32, #tpu.memory_space<vmem>>, vector<16xf32>,
      %get3A_393 = arith.constant 0 : index
      %get3A_394 = tpu.vector_load %arg7[%get3A_393] {strides = array<i32>} : memref<16xf32, #tpu.memory_space<vmem>>, vector<16xf32>,
      %get3A_395 = vector.shape_cast %get3A_394 : vector<16xf32> to vector<16xf32>
      %get3A_396 = arith.constant 2 : i32
      %get3A_397 = arith.index_cast %get3A_396 : i32 to index
      %get3A_398 = arith.constant 80 : index
      %get3A_399 = tpu.vector_load %arg6[%get3A_397, %get3A_398] {strides = array<i32>} : memref<8x128xf32, #tpu.memory_space<vmem>>, vector<1x16xf32>,
      %get3A_400 = vector.shape_cast %get3A_399 : vector<1x16xf32> to vector<16xf32>
      %add3A_401 = arith.addf %get3A_395, %get3A_400 : vector<16xf32>
      %swap3A_402 = arith.constant 0 : index
      %swap3A_403 = tpu.vector_load %arg7[%swap3A_402] {strides = array<i32>} : memref<16xf32, #tpu.memory_space<vmem>>, vector<16xf32>,
      %swap3A_404 = vector.shape_cast %swap3A_403 : vector<16xf32> to vector<16xf32>
      %swap3A_405 = vector.shape_cast %add3A_401 : vector<16xf32> to vector<16xf32>
      tpu.vector_store %arg7[%swap3A_402], %swap3A_405 {strides = array<i32>} : memref<16xf32, #tpu.memory_space<vmem>>, vector<16xf32>,
      %get3A_406 = arith.constant 0 : index
      %get3A_407 = tpu.vector_load %arg7[%get3A_406] {strides = array<i32>} : memref<16xf32, #tpu.memory_space<vmem>>, vector<16xf32>,
      %get3A_408 = vector.shape_cast %get3A_407 : vector<16xf32> to vector<16xf32>
      %get3A_409 = arith.constant 2 : i32
      %get3A_410 = arith.index_cast %get3A_409 : i32 to index
      %get3A_411 = arith.constant 96 : index
      %get3A_412 = tpu.vector_load %arg6[%get3A_410, %get3A_411] {strides = array<i32>} : memref<8x128xf32, #tpu.memory_space<vmem>>, vector<1x16xf32>,
      %get3A_413 = vector.shape_cast %get3A_412 : vector<1x16xf32> to vector<16xf32>
      %add3A_414 = arith.addf %get3A_408, %get3A_413 : vector<16xf32>
      %swap3A_415 = arith.constant 0 : index
      %swap3A_416 = tpu.vector_load %arg7[%swap3A_415] {strides = array<i32>} : memref<16xf32, #tpu.memory_space<vmem>>, vector<16xf32>,
      %swap3A_417 = vector.shape_cast %swap3A_416 : vector<16xf32> to vector<16xf32>
      %swap3A_418 = vector.shape_cast %add3A_414 : vector<16xf32> to vector<16xf32>
      tpu.vector_store %arg7[%swap3A_415], %swap3A_418 {strides = array<i32>} : memref<16xf32, #tpu.memory_space<vmem>>, vector<16xf32>,
      %get3A_419 = arith.constant 0 : index
      %get3A_420 = tpu.vector_load %arg7[%get3A_419] {strides = array<i32>} : memref<16xf32, #tpu.memory_space<vmem>>, vector<16xf32>,
      %get3A_421 = vector.shape_cast %get3A_420 : vector<16xf32> to vector<16xf32>
      %get3A_422 = arith.constant 2 : i32
      %get3A_423 = arith.index_cast %get3A_422 : i32 to index
      %get3A_424 = arith.constant 112 : index
      %get3A_425 = tpu.vector_load %arg6[%get3A_423, %get3A_424] {strides = array<i32>} : memref<8x128xf32, #tpu.memory_space<vmem>>, vector<1x16xf32>,
      %get3A_426 = vector.shape_cast %get3A_425 : vector<1x16xf32> to vector<16xf32>
      %add3A_427 = arith.addf %get3A_421, %get3A_426 : vector<16xf32>
      %swap3A_428 = arith.constant 0 : index
      %swap3A_429 = tpu.vector_load %arg7[%swap3A_428] {strides = array<i32>} : memref<16xf32, #tpu.memory_space<vmem>>, vector<16xf32>,
      %swap3A_430 = vector.shape_cast %swap3A_429 : vector<16xf32> to vector<16xf32>
      %swap3A_431 = vector.shape_cast %add3A_427 : vector<16xf32> to vector<16xf32>
      tpu.vector_store %arg7[%swap3A_428], %swap3A_431 {strides = array<i32>} : memref<16xf32, #tpu.memory_space<vmem>>, vector<16xf32>,
      %dma_wait3A_432 = arith.constant 3 : i32
      %dma_wait3A_433 = arith.constant 3 : i32
      %dma_wait3A_434 = arith.constant 0 : i32
      %dma_wait3A_435 = tpu.memref_slice %arg6[%dma_wait3A_433, %dma_wait3A_434] : memref<8x128xf32, #tpu.memory_space<vmem>> -> memref<1x128xf32, #tpu.memory_space<vmem>>
      %dma_wait3A_436 = tpu.memref_squeeze %dma_wait3A_435 : memref<1x128xf32, #tpu.memory_space<vmem>> -> memref<128xf32, #tpu.memory_space<vmem>>
      %dma_wait3A_437 = arith.constant 0 : i32
      %dma_wait3A_438 = tpu.memref_slice %arg5[%dma_wait3A_432, %dma_wait3A_437] : memref<8x128xi32, #tpu.memory_space<vmem>> -> memref<1x128xi32, #tpu.memory_space<vmem>>
      %dma_wait3A_439 = tpu.memref_squeeze %dma_wait3A_438 : memref<1x128xi32, #tpu.memory_space<vmem>> -> memref<128xi32, #tpu.memory_space<vmem>>
      %dma_wait3A_440 = arith.constant 0 : i32
      %dma_wait3A_441 = tpu.memref_slice %arg3[%dma_wait3A_440] : memref<10816xf32, #tpu.memory_space<hbm>> -> memref<10816xf32, #tpu.memory_space<hbm>>
      tpu.wait_indirect_dma semaphore(%arg8 : memref<!tpu.dma_semaphore, #tpu.memory_space<semaphore_mem>>) src(%dma_wait3A_441 : memref<10816xf32, #tpu.memory_space<hbm>>) dst(%dma_wait3A_436 : memref<128xf32, #tpu.memory_space<vmem>>)
      %get3A_442 = arith.constant 0 : index
      %get3A_443 = tpu.vector_load %arg7[%get3A_442] {strides = array<i32>} : memref<16xf32, #tpu.memory_space<vmem>>, vector<16xf32>,
      %get3A_444 = vector.shape_cast %get3A_443 : vector<16xf32> to vector<16xf32>
      %get3A_445 = arith.constant 3 : i32
      %get3A_446 = arith.index_cast %get3A_445 : i32 to index
      %get3A_447 = arith.constant 0 : index
      %get3A_448 = tpu.vector_load %arg6[%get3A_446, %get3A_447] {strides = array<i32>} : memref<8x128xf32, #tpu.memory_space<vmem>>, vector<1x16xf32>,
      %get3A_449 = vector.shape_cast %get3A_448 : vector<1x16xf32> to vector<16xf32>
      %add3A_450 = arith.addf %get3A_444, %get3A_449 : vector<16xf32>
      %swap3A_451 = arith.constant 0 : index
      %swap3A_452 = tpu.vector_load %arg7[%swap3A_451] {strides = array<i32>} : memref<16xf32, #tpu.memory_space<vmem>>, vector<16xf32>,
      %swap3A_453 = vector.shape_cast %swap3A_452 : vector<16xf32> to vector<16xf32>
      %swap3A_454 = vector.shape_cast %add3A_450 : vector<16xf32> to vector<16xf32>
      tpu.vector_store %arg7[%swap3A_451], %swap3A_454 {strides = array<i32>} : memref<16xf32, #tpu.memory_space<vmem>>, vector<16xf32>,
      %get3A_455 = arith.constant 0 : index
      %get3A_456 = tpu.vector_load %arg7[%get3A_455] {strides = array<i32>} : memref<16xf32, #tpu.memory_space<vmem>>, vector<16xf32>,
      %get3A_457 = vector.shape_cast %get3A_456 : vector<16xf32> to vector<16xf32>
      %get3A_458 = arith.constant 3 : i32
      %get3A_459 = arith.index_cast %get3A_458 : i32 to index
      %get3A_460 = arith.constant 16 : index
      %get3A_461 = tpu.vector_load %arg6[%get3A_459, %get3A_460] {strides = array<i32>} : memref<8x128xf32, #tpu.memory_space<vmem>>, vector<1x16xf32>,
      %get3A_462 = vector.shape_cast %get3A_461 : vector<1x16xf32> to vector<16xf32>
      %add3A_463 = arith.addf %get3A_457, %get3A_462 : vector<16xf32>
      %swap3A_464 = arith.constant 0 : index
      %swap3A_465 = tpu.vector_load %arg7[%swap3A_464] {strides = array<i32>} : memref<16xf32, #tpu.memory_space<vmem>>, vector<16xf32>,
      %swap3A_466 = vector.shape_cast %swap3A_465 : vector<16xf32> to vector<16xf32>
      %swap3A_467 = vector.shape_cast %add3A_463 : vector<16xf32> to vector<16xf32>
      tpu.vector_store %arg7[%swap3A_464], %swap3A_467 {strides = array<i32>} : memref<16xf32, #tpu.memory_space<vmem>>, vector<16xf32>,
      %get3A_468 = arith.constant 0 : index
      %get3A_469 = tpu.vector_load %arg7[%get3A_468] {strides = array<i32>} : memref<16xf32, #tpu.memory_space<vmem>>, vector<16xf32>,
      %get3A_470 = vector.shape_cast %get3A_469 : vector<16xf32> to vector<16xf32>
      %get3A_471 = arith.constant 3 : i32
      %get3A_472 = arith.index_cast %get3A_471 : i32 to index
      %get3A_473 = arith.constant 32 : index
      %get3A_474 = tpu.vector_load %arg6[%get3A_472, %get3A_473] {strides = array<i32>} : memref<8x128xf32, #tpu.memory_space<vmem>>, vector<1x16xf32>,
      %get3A_475 = vector.shape_cast %get3A_474 : vector<1x16xf32> to vector<16xf32>
      %add3A_476 = arith.addf %get3A_470, %get3A_475 : vector<16xf32>
      %swap3A_477 = arith.constant 0 : index
      %swap3A_478 = tpu.vector_load %arg7[%swap3A_477] {strides = array<i32>} : memref<16xf32, #tpu.memory_space<vmem>>, vector<16xf32>,
      %swap3A_479 = vector.shape_cast %swap3A_478 : vector<16xf32> to vector<16xf32>
      %swap3A_480 = vector.shape_cast %add3A_476 : vector<16xf32> to vector<16xf32>
      tpu.vector_store %arg7[%swap3A_477], %swap3A_480 {strides = array<i32>} : memref<16xf32, #tpu.memory_space<vmem>>, vector<16xf32>,
      %get3A_481 = arith.constant 0 : index
      %get3A_482 = tpu.vector_load %arg7[%get3A_481] {strides = array<i32>} : memref<16xf32, #tpu.memory_space<vmem>>, vector<16xf32>,
      %get3A_483 = vector.shape_cast %get3A_482 : vector<16xf32> to vector<16xf32>
      %get3A_484 = arith.constant 3 : i32
      %get3A_485 = arith.index_cast %get3A_484 : i32 to index
      %get3A_486 = arith.constant 48 : index
      %get3A_487 = tpu.vector_load %arg6[%get3A_485, %get3A_486] {strides = array<i32>} : memref<8x128xf32, #tpu.memory_space<vmem>>, vector<1x16xf32>,
      %get3A_488 = vector.shape_cast %get3A_487 : vector<1x16xf32> to vector<16xf32>
      %add3A_489 = arith.addf %get3A_483, %get3A_488 : vector<16xf32>
      %swap3A_490 = arith.constant 0 : index
      %swap3A_491 = tpu.vector_load %arg7[%swap3A_490] {strides = array<i32>} : memref<16xf32, #tpu.memory_space<vmem>>, vector<16xf32>,
      %swap3A_492 = vector.shape_cast %swap3A_491 : vector<16xf32> to vector<16xf32>
      %swap3A_493 = vector.shape_cast %add3A_489 : vector<16xf32> to vector<16xf32>
      tpu.vector_store %arg7[%swap3A_490], %swap3A_493 {strides = array<i32>} : memref<16xf32, #tpu.memory_space<vmem>>, vector<16xf32>,
      %get3A_494 = arith.constant 0 : index
      %get3A_495 = tpu.vector_load %arg7[%get3A_494] {strides = array<i32>} : memref<16xf32, #tpu.memory_space<vmem>>, vector<16xf32>,
      %get3A_496 = vector.shape_cast %get3A_495 : vector<16xf32> to vector<16xf32>
      %get3A_497 = arith.constant 3 : i32
      %get3A_498 = arith.index_cast %get3A_497 : i32 to index
      %get3A_499 = arith.constant 64 : index
      %get3A_500 = tpu.vector_load %arg6[%get3A_498, %get3A_499] {strides = array<i32>} : memref<8x128xf32, #tpu.memory_space<vmem>>, vector<1x16xf32>,
      %get3A_501 = vector.shape_cast %get3A_500 : vector<1x16xf32> to vector<16xf32>
      %add3A_502 = arith.addf %get3A_496, %get3A_501 : vector<16xf32>
      %swap3A_503 = arith.constant 0 : index
      %swap3A_504 = tpu.vector_load %arg7[%swap3A_503] {strides = array<i32>} : memref<16xf32, #tpu.memory_space<vmem>>, vector<16xf32>,
      %swap3A_505 = vector.shape_cast %swap3A_504 : vector<16xf32> to vector<16xf32>
      %swap3A_506 = vector.shape_cast %add3A_502 : vector<16xf32> to vector<16xf32>
      tpu.vector_store %arg7[%swap3A_503], %swap3A_506 {strides = array<i32>} : memref<16xf32, #tpu.memory_space<vmem>>, vector<16xf32>,
      %get3A_507 = arith.constant 0 : index
      %get3A_508 = tpu.vector_load %arg7[%get3A_507] {strides = array<i32>} : memref<16xf32, #tpu.memory_space<vmem>>, vector<16xf32>,
      %get3A_509 = vector.shape_cast %get3A_508 : vector<16xf32> to vector<16xf32>
      %get3A_510 = arith.constant 3 : i32
      %get3A_511 = arith.index_cast %get3A_510 : i32 to index
      %get3A_512 = arith.constant 80 : index
      %get3A_513 = tpu.vector_load %arg6[%get3A_511, %get3A_512] {strides = array<i32>} : memref<8x128xf32, #tpu.memory_space<vmem>>, vector<1x16xf32>,
      %get3A_514 = vector.shape_cast %get3A_513 : vector<1x16xf32> to vector<16xf32>
      %add3A_515 = arith.addf %get3A_509, %get3A_514 : vector<16xf32>
      %swap3A_516 = arith.constant 0 : index
      %swap3A_517 = tpu.vector_load %arg7[%swap3A_516] {strides = array<i32>} : memref<16xf32, #tpu.memory_space<vmem>>, vector<16xf32>,
      %swap3A_518 = vector.shape_cast %swap3A_517 : vector<16xf32> to vector<16xf32>
      %swap3A_519 = vector.shape_cast %add3A_515 : vector<16xf32> to vector<16xf32>
      tpu.vector_store %arg7[%swap3A_516], %swap3A_519 {strides = array<i32>} : memref<16xf32, #tpu.memory_space<vmem>>, vector<16xf32>,
      %get3A_520 = arith.constant 0 : index
      %get3A_521 = tpu.vector_load %arg7[%get3A_520] {strides = array<i32>} : memref<16xf32, #tpu.memory_space<vmem>>, vector<16xf32>,
      %get3A_522 = vector.shape_cast %get3A_521 : vector<16xf32> to vector<16xf32>
      %get3A_523 = arith.constant 3 : i32
      %get3A_524 = arith.index_cast %get3A_523 : i32 to index
      %get3A_525 = arith.constant 96 : index
      %get3A_526 = tpu.vector_load %arg6[%get3A_524, %get3A_525] {strides = array<i32>} : memref<8x128xf32, #tpu.memory_space<vmem>>, vector<1x16xf32>,
      %get3A_527 = vector.shape_cast %get3A_526 : vector<1x16xf32> to vector<16xf32>
      %add3A_528 = arith.addf %get3A_522, %get3A_527 : vector<16xf32>
      %swap3A_529 = arith.constant 0 : index
      %swap3A_530 = tpu.vector_load %arg7[%swap3A_529] {strides = array<i32>} : memref<16xf32, #tpu.memory_space<vmem>>, vector<16xf32>,
      %swap3A_531 = vector.shape_cast %swap3A_530 : vector<16xf32> to vector<16xf32>
      %swap3A_532 = vector.shape_cast %add3A_528 : vector<16xf32> to vector<16xf32>
      tpu.vector_store %arg7[%swap3A_529], %swap3A_532 {strides = array<i32>} : memref<16xf32, #tpu.memory_space<vmem>>, vector<16xf32>,
      %get3A_533 = arith.constant 0 : index
      %get3A_534 = tpu.vector_load %arg7[%get3A_533] {strides = array<i32>} : memref<16xf32, #tpu.memory_space<vmem>>, vector<16xf32>,
      %get3A_535 = vector.shape_cast %get3A_534 : vector<16xf32> to vector<16xf32>
      %get3A_536 = arith.constant 3 : i32
      %get3A_537 = arith.index_cast %get3A_536 : i32 to index
      %get3A_538 = arith.constant 112 : index
      %get3A_539 = tpu.vector_load %arg6[%get3A_537, %get3A_538] {strides = array<i32>} : memref<8x128xf32, #tpu.memory_space<vmem>>, vector<1x16xf32>,
      %get3A_540 = vector.shape_cast %get3A_539 : vector<1x16xf32> to vector<16xf32>
      %add3A_541 = arith.addf %get3A_535, %get3A_540 : vector<16xf32>
      %swap3A_542 = arith.constant 0 : index
      %swap3A_543 = tpu.vector_load %arg7[%swap3A_542] {strides = array<i32>} : memref<16xf32, #tpu.memory_space<vmem>>, vector<16xf32>,
      %swap3A_544 = vector.shape_cast %swap3A_543 : vector<16xf32> to vector<16xf32>
      %swap3A_545 = vector.shape_cast %add3A_541 : vector<16xf32> to vector<16xf32>
      tpu.vector_store %arg7[%swap3A_542], %swap3A_545 {strides = array<i32>} : memref<16xf32, #tpu.memory_space<vmem>>, vector<16xf32>,
      %dma_wait3A_546 = arith.constant 4 : i32
      %dma_wait3A_547 = arith.constant 4 : i32
      %dma_wait3A_548 = arith.constant 0 : i32
      %dma_wait3A_549 = tpu.memref_slice %arg6[%dma_wait3A_547, %dma_wait3A_548] : memref<8x128xf32, #tpu.memory_space<vmem>> -> memref<1x128xf32, #tpu.memory_space<vmem>>
      %dma_wait3A_550 = tpu.memref_squeeze %dma_wait3A_549 : memref<1x128xf32, #tpu.memory_space<vmem>> -> memref<128xf32, #tpu.memory_space<vmem>>
      %dma_wait3A_551 = arith.constant 0 : i32
      %dma_wait3A_552 = tpu.memref_slice %arg5[%dma_wait3A_546, %dma_wait3A_551] : memref<8x128xi32, #tpu.memory_space<vmem>> -> memref<1x128xi32, #tpu.memory_space<vmem>>
      %dma_wait3A_553 = tpu.memref_squeeze %dma_wait3A_552 : memref<1x128xi32, #tpu.memory_space<vmem>> -> memref<128xi32, #tpu.memory_space<vmem>>
      %dma_wait3A_554 = arith.constant 0 : i32
      %dma_wait3A_555 = tpu.memref_slice %arg3[%dma_wait3A_554] : memref<10816xf32, #tpu.memory_space<hbm>> -> memref<10816xf32, #tpu.memory_space<hbm>>
      tpu.wait_indirect_dma semaphore(%arg8 : memref<!tpu.dma_semaphore, #tpu.memory_space<semaphore_mem>>) src(%dma_wait3A_555 : memref<10816xf32, #tpu.memory_space<hbm>>) dst(%dma_wait3A_550 : memref<128xf32, #tpu.memory_space<vmem>>)
      %get3A_556 = arith.constant 0 : index
      %get3A_557 = tpu.vector_load %arg7[%get3A_556] {strides = array<i32>} : memref<16xf32, #tpu.memory_space<vmem>>, vector<16xf32>,
      %get3A_558 = vector.shape_cast %get3A_557 : vector<16xf32> to vector<16xf32>
      %get3A_559 = arith.constant 4 : i32
      %get3A_560 = arith.index_cast %get3A_559 : i32 to index
      %get3A_561 = arith.constant 0 : index
      %get3A_562 = tpu.vector_load %arg6[%get3A_560, %get3A_561] {strides = array<i32>} : memref<8x128xf32, #tpu.memory_space<vmem>>, vector<1x16xf32>,
      %get3A_563 = vector.shape_cast %get3A_562 : vector<1x16xf32> to vector<16xf32>
      %add3A_564 = arith.addf %get3A_558, %get3A_563 : vector<16xf32>
      %swap3A_565 = arith.constant 0 : index
      %swap3A_566 = tpu.vector_load %arg7[%swap3A_565] {strides = array<i32>} : memref<16xf32, #tpu.memory_space<vmem>>, vector<16xf32>,
      %swap3A_567 = vector.shape_cast %swap3A_566 : vector<16xf32> to vector<16xf32>
      %swap3A_568 = vector.shape_cast %add3A_564 : vector<16xf32> to vector<16xf32>
      tpu.vector_store %arg7[%swap3A_565], %swap3A_568 {strides = array<i32>} : memref<16xf32, #tpu.memory_space<vmem>>, vector<16xf32>,
      %get3A_569 = arith.constant 0 : index
      %get3A_570 = tpu.vector_load %arg7[%get3A_569] {strides = array<i32>} : memref<16xf32, #tpu.memory_space<vmem>>, vector<16xf32>,
      %get3A_571 = vector.shape_cast %get3A_570 : vector<16xf32> to vector<16xf32>
      %get3A_572 = arith.constant 4 : i32
      %get3A_573 = arith.index_cast %get3A_572 : i32 to index
      %get3A_574 = arith.constant 16 : index
      %get3A_575 = tpu.vector_load %arg6[%get3A_573, %get3A_574] {strides = array<i32>} : memref<8x128xf32, #tpu.memory_space<vmem>>, vector<1x16xf32>,
      %get3A_576 = vector.shape_cast %get3A_575 : vector<1x16xf32> to vector<16xf32>
      %add3A_577 = arith.addf %get3A_571, %get3A_576 : vector<16xf32>
      %swap3A_578 = arith.constant 0 : index
      %swap3A_579 = tpu.vector_load %arg7[%swap3A_578] {strides = array<i32>} : memref<16xf32, #tpu.memory_space<vmem>>, vector<16xf32>,
      %swap3A_580 = vector.shape_cast %swap3A_579 : vector<16xf32> to vector<16xf32>
      %swap3A_581 = vector.shape_cast %add3A_577 : vector<16xf32> to vector<16xf32>
      tpu.vector_store %arg7[%swap3A_578], %swap3A_581 {strides = array<i32>} : memref<16xf32, #tpu.memory_space<vmem>>, vector<16xf32>,
      %get3A_582 = arith.constant 0 : index
      %get3A_583 = tpu.vector_load %arg7[%get3A_582] {strides = array<i32>} : memref<16xf32, #tpu.memory_space<vmem>>, vector<16xf32>,
      %get3A_584 = vector.shape_cast %get3A_583 : vector<16xf32> to vector<16xf32>
      %get3A_585 = arith.constant 4 : i32
      %get3A_586 = arith.index_cast %get3A_585 : i32 to index
      %get3A_587 = arith.constant 32 : index
      %get3A_588 = tpu.vector_load %arg6[%get3A_586, %get3A_587] {strides = array<i32>} : memref<8x128xf32, #tpu.memory_space<vmem>>, vector<1x16xf32>,
      %get3A_589 = vector.shape_cast %get3A_588 : vector<1x16xf32> to vector<16xf32>
      %add3A_590 = arith.addf %get3A_584, %get3A_589 : vector<16xf32>
      %swap3A_591 = arith.constant 0 : index
      %swap3A_592 = tpu.vector_load %arg7[%swap3A_591] {strides = array<i32>} : memref<16xf32, #tpu.memory_space<vmem>>, vector<16xf32>,
      %swap3A_593 = vector.shape_cast %swap3A_592 : vector<16xf32> to vector<16xf32>
      %swap3A_594 = vector.shape_cast %add3A_590 : vector<16xf32> to vector<16xf32>
      tpu.vector_store %arg7[%swap3A_591], %swap3A_594 {strides = array<i32>} : memref<16xf32, #tpu.memory_space<vmem>>, vector<16xf32>,
      %get3A_595 = arith.constant 0 : index
      %get3A_596 = tpu.vector_load %arg7[%get3A_595] {strides = array<i32>} : memref<16xf32, #tpu.memory_space<vmem>>, vector<16xf32>,
      %get3A_597 = vector.shape_cast %get3A_596 : vector<16xf32> to vector<16xf32>
      %get3A_598 = arith.constant 4 : i32
      %get3A_599 = arith.index_cast %get3A_598 : i32 to index
      %get3A_600 = arith.constant 48 : index
      %get3A_601 = tpu.vector_load %arg6[%get3A_599, %get3A_600] {strides = array<i32>} : memref<8x128xf32, #tpu.memory_space<vmem>>, vector<1x16xf32>,
      %get3A_602 = vector.shape_cast %get3A_601 : vector<1x16xf32> to vector<16xf32>
      %add3A_603 = arith.addf %get3A_597, %get3A_602 : vector<16xf32>
      %swap3A_604 = arith.constant 0 : index
      %swap3A_605 = tpu.vector_load %arg7[%swap3A_604] {strides = array<i32>} : memref<16xf32, #tpu.memory_space<vmem>>, vector<16xf32>,
      %swap3A_606 = vector.shape_cast %swap3A_605 : vector<16xf32> to vector<16xf32>
      %swap3A_607 = vector.shape_cast %add3A_603 : vector<16xf32> to vector<16xf32>
      tpu.vector_store %arg7[%swap3A_604], %swap3A_607 {strides = array<i32>} : memref<16xf32, #tpu.memory_space<vmem>>, vector<16xf32>,
      %get3A_608 = arith.constant 0 : index
      %get3A_609 = tpu.vector_load %arg7[%get3A_608] {strides = array<i32>} : memref<16xf32, #tpu.memory_space<vmem>>, vector<16xf32>,
      %get3A_610 = vector.shape_cast %get3A_609 : vector<16xf32> to vector<16xf32>
      %get3A_611 = arith.constant 4 : i32
      %get3A_612 = arith.index_cast %get3A_611 : i32 to index
      %get3A_613 = arith.constant 64 : index
      %get3A_614 = tpu.vector_load %arg6[%get3A_612, %get3A_613] {strides = array<i32>} : memref<8x128xf32, #tpu.memory_space<vmem>>, vector<1x16xf32>,
      %get3A_615 = vector.shape_cast %get3A_614 : vector<1x16xf32> to vector<16xf32>
      %add3A_616 = arith.addf %get3A_610, %get3A_615 : vector<16xf32>
      %swap3A_617 = arith.constant 0 : index
      %swap3A_618 = tpu.vector_load %arg7[%swap3A_617] {strides = array<i32>} : memref<16xf32, #tpu.memory_space<vmem>>, vector<16xf32>,
      %swap3A_619 = vector.shape_cast %swap3A_618 : vector<16xf32> to vector<16xf32>
      %swap3A_620 = vector.shape_cast %add3A_616 : vector<16xf32> to vector<16xf32>
      tpu.vector_store %arg7[%swap3A_617], %swap3A_620 {strides = array<i32>} : memref<16xf32, #tpu.memory_space<vmem>>, vector<16xf32>,
      %get3A_621 = arith.constant 0 : index
      %get3A_622 = tpu.vector_load %arg7[%get3A_621] {strides = array<i32>} : memref<16xf32, #tpu.memory_space<vmem>>, vector<16xf32>,
      %get3A_623 = vector.shape_cast %get3A_622 : vector<16xf32> to vector<16xf32>
      %get3A_624 = arith.constant 4 : i32
      %get3A_625 = arith.index_cast %get3A_624 : i32 to index
      %get3A_626 = arith.constant 80 : index
      %get3A_627 = tpu.vector_load %arg6[%get3A_625, %get3A_626] {strides = array<i32>} : memref<8x128xf32, #tpu.memory_space<vmem>>, vector<1x16xf32>,
      %get3A_628 = vector.shape_cast %get3A_627 : vector<1x16xf32> to vector<16xf32>
      %add3A_629 = arith.addf %get3A_623, %get3A_628 : vector<16xf32>
      %swap3A_630 = arith.constant 0 : index
      %swap3A_631 = tpu.vector_load %arg7[%swap3A_630] {strides = array<i32>} : memref<16xf32, #tpu.memory_space<vmem>>, vector<16xf32>,
      %swap3A_632 = vector.shape_cast %swap3A_631 : vector<16xf32> to vector<16xf32>
      %swap3A_633 = vector.shape_cast %add3A_629 : vector<16xf32> to vector<16xf32>
      tpu.vector_store %arg7[%swap3A_630], %swap3A_633 {strides = array<i32>} : memref<16xf32, #tpu.memory_space<vmem>>, vector<16xf32>,
      %get3A_634 = arith.constant 0 : index
      %get3A_635 = tpu.vector_load %arg7[%get3A_634] {strides = array<i32>} : memref<16xf32, #tpu.memory_space<vmem>>, vector<16xf32>,
      %get3A_636 = vector.shape_cast %get3A_635 : vector<16xf32> to vector<16xf32>
      %get3A_637 = arith.constant 4 : i32
      %get3A_638 = arith.index_cast %get3A_637 : i32 to index
      %get3A_639 = arith.constant 96 : index
      %get3A_640 = tpu.vector_load %arg6[%get3A_638, %get3A_639] {strides = array<i32>} : memref<8x128xf32, #tpu.memory_space<vmem>>, vector<1x16xf32>,
      %get3A_641 = vector.shape_cast %get3A_640 : vector<1x16xf32> to vector<16xf32>
      %add3A_642 = arith.addf %get3A_636, %get3A_641 : vector<16xf32>
      %swap3A_643 = arith.constant 0 : index
      %swap3A_644 = tpu.vector_load %arg7[%swap3A_643] {strides = array<i32>} : memref<16xf32, #tpu.memory_space<vmem>>, vector<16xf32>,
      %swap3A_645 = vector.shape_cast %swap3A_644 : vector<16xf32> to vector<16xf32>
      %swap3A_646 = vector.shape_cast %add3A_642 : vector<16xf32> to vector<16xf32>
      tpu.vector_store %arg7[%swap3A_643], %swap3A_646 {strides = array<i32>} : memref<16xf32, #tpu.memory_space<vmem>>, vector<16xf32>,
      %get3A_647 = arith.constant 0 : index
      %get3A_648 = tpu.vector_load %arg7[%get3A_647] {strides = array<i32>} : memref<16xf32, #tpu.memory_space<vmem>>, vector<16xf32>,
      %get3A_649 = vector.shape_cast %get3A_648 : vector<16xf32> to vector<16xf32>
      %get3A_650 = arith.constant 4 : i32
      %get3A_651 = arith.index_cast %get3A_650 : i32 to index
      %get3A_652 = arith.constant 112 : index
      %get3A_653 = tpu.vector_load %arg6[%get3A_651, %get3A_652] {strides = array<i32>} : memref<8x128xf32, #tpu.memory_space<vmem>>, vector<1x16xf32>,
      %get3A_654 = vector.shape_cast %get3A_653 : vector<1x16xf32> to vector<16xf32>
      %add3A_655 = arith.addf %get3A_649, %get3A_654 : vector<16xf32>
      %swap3A_656 = arith.constant 0 : index
      %swap3A_657 = tpu.vector_load %arg7[%swap3A_656] {strides = array<i32>} : memref<16xf32, #tpu.memory_space<vmem>>, vector<16xf32>,
      %swap3A_658 = vector.shape_cast %swap3A_657 : vector<16xf32> to vector<16xf32>
      %swap3A_659 = vector.shape_cast %add3A_655 : vector<16xf32> to vector<16xf32>
      tpu.vector_store %arg7[%swap3A_656], %swap3A_659 {strides = array<i32>} : memref<16xf32, #tpu.memory_space<vmem>>, vector<16xf32>,
      %dma_wait3A_660 = arith.constant 5 : i32
      %dma_wait3A_661 = arith.constant 5 : i32
      %dma_wait3A_662 = arith.constant 0 : i32
      %dma_wait3A_663 = tpu.memref_slice %arg6[%dma_wait3A_661, %dma_wait3A_662] : memref<8x128xf32, #tpu.memory_space<vmem>> -> memref<1x128xf32, #tpu.memory_space<vmem>>
      %dma_wait3A_664 = tpu.memref_squeeze %dma_wait3A_663 : memref<1x128xf32, #tpu.memory_space<vmem>> -> memref<128xf32, #tpu.memory_space<vmem>>
      %dma_wait3A_665 = arith.constant 0 : i32
      %dma_wait3A_666 = tpu.memref_slice %arg5[%dma_wait3A_660, %dma_wait3A_665] : memref<8x128xi32, #tpu.memory_space<vmem>> -> memref<1x128xi32, #tpu.memory_space<vmem>>
      %dma_wait3A_667 = tpu.memref_squeeze %dma_wait3A_666 : memref<1x128xi32, #tpu.memory_space<vmem>> -> memref<128xi32, #tpu.memory_space<vmem>>
      %dma_wait3A_668 = arith.constant 0 : i32
      %dma_wait3A_669 = tpu.memref_slice %arg3[%dma_wait3A_668] : memref<10816xf32, #tpu.memory_space<hbm>> -> memref<10816xf32, #tpu.memory_space<hbm>>
      tpu.wait_indirect_dma semaphore(%arg8 : memref<!tpu.dma_semaphore, #tpu.memory_space<semaphore_mem>>) src(%dma_wait3A_669 : memref<10816xf32, #tpu.memory_space<hbm>>) dst(%dma_wait3A_664 : memref<128xf32, #tpu.memory_space<vmem>>)
      %get3A_670 = arith.constant 0 : index
      %get3A_671 = tpu.vector_load %arg7[%get3A_670] {strides = array<i32>} : memref<16xf32, #tpu.memory_space<vmem>>, vector<16xf32>,
      %get3A_672 = vector.shape_cast %get3A_671 : vector<16xf32> to vector<16xf32>
      %get3A_673 = arith.constant 5 : i32
      %get3A_674 = arith.index_cast %get3A_673 : i32 to index
      %get3A_675 = arith.constant 0 : index
      %get3A_676 = tpu.vector_load %arg6[%get3A_674, %get3A_675] {strides = array<i32>} : memref<8x128xf32, #tpu.memory_space<vmem>>, vector<1x16xf32>,
      %get3A_677 = vector.shape_cast %get3A_676 : vector<1x16xf32> to vector<16xf32>
      %add3A_678 = arith.addf %get3A_672, %get3A_677 : vector<16xf32>
      %swap3A_679 = arith.constant 0 : index
      %swap3A_680 = tpu.vector_load %arg7[%swap3A_679] {strides = array<i32>} : memref<16xf32, #tpu.memory_space<vmem>>, vector<16xf32>,
      %swap3A_681 = vector.shape_cast %swap3A_680 : vector<16xf32> to vector<16xf32>
      %swap3A_682 = vector.shape_cast %add3A_678 : vector<16xf32> to vector<16xf32>
      tpu.vector_store %arg7[%swap3A_679], %swap3A_682 {strides = array<i32>} : memref<16xf32, #tpu.memory_space<vmem>>, vector<16xf32>,
      %get3A_683 = arith.constant 0 : index
      %get3A_684 = tpu.vector_load %arg7[%get3A_683] {strides = array<i32>} : memref<16xf32, #tpu.memory_space<vmem>>, vector<16xf32>,
      %get3A_685 = vector.shape_cast %get3A_684 : vector<16xf32> to vector<16xf32>
      %get3A_686 = arith.constant 5 : i32
      %get3A_687 = arith.index_cast %get3A_686 : i32 to index
      %get3A_688 = arith.constant 16 : index
      %get3A_689 = tpu.vector_load %arg6[%get3A_687, %get3A_688] {strides = array<i32>} : memref<8x128xf32, #tpu.memory_space<vmem>>, vector<1x16xf32>,
      %get3A_690 = vector.shape_cast %get3A_689 : vector<1x16xf32> to vector<16xf32>
      %add3A_691 = arith.addf %get3A_685, %get3A_690 : vector<16xf32>
      %swap3A_692 = arith.constant 0 : index
      %swap3A_693 = tpu.vector_load %arg7[%swap3A_692] {strides = array<i32>} : memref<16xf32, #tpu.memory_space<vmem>>, vector<16xf32>,
      %swap3A_694 = vector.shape_cast %swap3A_693 : vector<16xf32> to vector<16xf32>
      %swap3A_695 = vector.shape_cast %add3A_691 : vector<16xf32> to vector<16xf32>
      tpu.vector_store %arg7[%swap3A_692], %swap3A_695 {strides = array<i32>} : memref<16xf32, #tpu.memory_space<vmem>>, vector<16xf32>,
      %get3A_696 = arith.constant 0 : index
      %get3A_697 = tpu.vector_load %arg7[%get3A_696] {strides = array<i32>} : memref<16xf32, #tpu.memory_space<vmem>>, vector<16xf32>,
      %get3A_698 = vector.shape_cast %get3A_697 : vector<16xf32> to vector<16xf32>
      %get3A_699 = arith.constant 5 : i32
      %get3A_700 = arith.index_cast %get3A_699 : i32 to index
      %get3A_701 = arith.constant 32 : index
      %get3A_702 = tpu.vector_load %arg6[%get3A_700, %get3A_701] {strides = array<i32>} : memref<8x128xf32, #tpu.memory_space<vmem>>, vector<1x16xf32>,
      %get3A_703 = vector.shape_cast %get3A_702 : vector<1x16xf32> to vector<16xf32>
      %add3A_704 = arith.addf %get3A_698, %get3A_703 : vector<16xf32>
      %swap3A_705 = arith.constant 0 : index
      %swap3A_706 = tpu.vector_load %arg7[%swap3A_705] {strides = array<i32>} : memref<16xf32, #tpu.memory_space<vmem>>, vector<16xf32>,
      %swap3A_707 = vector.shape_cast %swap3A_706 : vector<16xf32> to vector<16xf32>
      %swap3A_708 = vector.shape_cast %add3A_704 : vector<16xf32> to vector<16xf32>
      tpu.vector_store %arg7[%swap3A_705], %swap3A_708 {strides = array<i32>} : memref<16xf32, #tpu.memory_space<vmem>>, vector<16xf32>,
      %get3A_709 = arith.constant 0 : index
      %get3A_710 = tpu.vector_load %arg7[%get3A_709] {strides = array<i32>} : memref<16xf32, #tpu.memory_space<vmem>>, vector<16xf32>,
      %get3A_711 = vector.shape_cast %get3A_710 : vector<16xf32> to vector<16xf32>
      %get3A_712 = arith.constant 5 : i32
      %get3A_713 = arith.index_cast %get3A_712 : i32 to index
      %get3A_714 = arith.constant 48 : index
      %get3A_715 = tpu.vector_load %arg6[%get3A_713, %get3A_714] {strides = array<i32>} : memref<8x128xf32, #tpu.memory_space<vmem>>, vector<1x16xf32>,
      %get3A_716 = vector.shape_cast %get3A_715 : vector<1x16xf32> to vector<16xf32>
      %add3A_717 = arith.addf %get3A_711, %get3A_716 : vector<16xf32>
      %swap3A_718 = arith.constant 0 : index
      %swap3A_719 = tpu.vector_load %arg7[%swap3A_718] {strides = array<i32>} : memref<16xf32, #tpu.memory_space<vmem>>, vector<16xf32>,
      %swap3A_720 = vector.shape_cast %swap3A_719 : vector<16xf32> to vector<16xf32>
      %swap3A_721 = vector.shape_cast %add3A_717 : vector<16xf32> to vector<16xf32>
      tpu.vector_store %arg7[%swap3A_718], %swap3A_721 {strides = array<i32>} : memref<16xf32, #tpu.memory_space<vmem>>, vector<16xf32>,
      %get3A_722 = arith.constant 0 : index
      %get3A_723 = tpu.vector_load %arg7[%get3A_722] {strides = array<i32>} : memref<16xf32, #tpu.memory_space<vmem>>, vector<16xf32>,
      %get3A_724 = vector.shape_cast %get3A_723 : vector<16xf32> to vector<16xf32>
      %get3A_725 = arith.constant 5 : i32
      %get3A_726 = arith.index_cast %get3A_725 : i32 to index
      %get3A_727 = arith.constant 64 : index
      %get3A_728 = tpu.vector_load %arg6[%get3A_726, %get3A_727] {strides = array<i32>} : memref<8x128xf32, #tpu.memory_space<vmem>>, vector<1x16xf32>,
      %get3A_729 = vector.shape_cast %get3A_728 : vector<1x16xf32> to vector<16xf32>
      %add3A_730 = arith.addf %get3A_724, %get3A_729 : vector<16xf32>
      %swap3A_731 = arith.constant 0 : index
      %swap3A_732 = tpu.vector_load %arg7[%swap3A_731] {strides = array<i32>} : memref<16xf32, #tpu.memory_space<vmem>>, vector<16xf32>,
      %swap3A_733 = vector.shape_cast %swap3A_732 : vector<16xf32> to vector<16xf32>
      %swap3A_734 = vector.shape_cast %add3A_730 : vector<16xf32> to vector<16xf32>
      tpu.vector_store %arg7[%swap3A_731], %swap3A_734 {strides = array<i32>} : memref<16xf32, #tpu.memory_space<vmem>>, vector<16xf32>,
      %get3A_735 = arith.constant 0 : index
      %get3A_736 = tpu.vector_load %arg7[%get3A_735] {strides = array<i32>} : memref<16xf32, #tpu.memory_space<vmem>>, vector<16xf32>,
      %get3A_737 = vector.shape_cast %get3A_736 : vector<16xf32> to vector<16xf32>
      %get3A_738 = arith.constant 5 : i32
      %get3A_739 = arith.index_cast %get3A_738 : i32 to index
      %get3A_740 = arith.constant 80 : index
      %get3A_741 = tpu.vector_load %arg6[%get3A_739, %get3A_740] {strides = array<i32>} : memref<8x128xf32, #tpu.memory_space<vmem>>, vector<1x16xf32>,
      %get3A_742 = vector.shape_cast %get3A_741 : vector<1x16xf32> to vector<16xf32>
      %add3A_743 = arith.addf %get3A_737, %get3A_742 : vector<16xf32>
      %swap3A_744 = arith.constant 0 : index
      %swap3A_745 = tpu.vector_load %arg7[%swap3A_744] {strides = array<i32>} : memref<16xf32, #tpu.memory_space<vmem>>, vector<16xf32>,
      %swap3A_746 = vector.shape_cast %swap3A_745 : vector<16xf32> to vector<16xf32>
      %swap3A_747 = vector.shape_cast %add3A_743 : vector<16xf32> to vector<16xf32>
      tpu.vector_store %arg7[%swap3A_744], %swap3A_747 {strides = array<i32>} : memref<16xf32, #tpu.memory_space<vmem>>, vector<16xf32>,
      %get3A_748 = arith.constant 0 : index
      %get3A_749 = tpu.vector_load %arg7[%get3A_748] {strides = array<i32>} : memref<16xf32, #tpu.memory_space<vmem>>, vector<16xf32>,
      %get3A_750 = vector.shape_cast %get3A_749 : vector<16xf32> to vector<16xf32>
      %get3A_751 = arith.constant 5 : i32
      %get3A_752 = arith.index_cast %get3A_751 : i32 to index
      %get3A_753 = arith.constant 96 : index
      %get3A_754 = tpu.vector_load %arg6[%get3A_752, %get3A_753] {strides = array<i32>} : memref<8x128xf32, #tpu.memory_space<vmem>>, vector<1x16xf32>,
      %get3A_755 = vector.shape_cast %get3A_754 : vector<1x16xf32> to vector<16xf32>
      %add3A_756 = arith.addf %get3A_750, %get3A_755 : vector<16xf32>
      %swap3A_757 = arith.constant 0 : index
      %swap3A_758 = tpu.vector_load %arg7[%swap3A_757] {strides = array<i32>} : memref<16xf32, #tpu.memory_space<vmem>>, vector<16xf32>,
      %swap3A_759 = vector.shape_cast %swap3A_758 : vector<16xf32> to vector<16xf32>
      %swap3A_760 = vector.shape_cast %add3A_756 : vector<16xf32> to vector<16xf32>
      tpu.vector_store %arg7[%swap3A_757], %swap3A_760 {strides = array<i32>} : memref<16xf32, #tpu.memory_space<vmem>>, vector<16xf32>,
      %get3A_761 = arith.constant 0 : index
      %get3A_762 = tpu.vector_load %arg7[%get3A_761] {strides = array<i32>} : memref<16xf32, #tpu.memory_space<vmem>>, vector<16xf32>,
      %get3A_763 = vector.shape_cast %get3A_762 : vector<16xf32> to vector<16xf32>
      %get3A_764 = arith.constant 5 : i32
      %get3A_765 = arith.index_cast %get3A_764 : i32 to index
      %get3A_766 = arith.constant 112 : index
      %get3A_767 = tpu.vector_load %arg6[%get3A_765, %get3A_766] {strides = array<i32>} : memref<8x128xf32, #tpu.memory_space<vmem>>, vector<1x16xf32>,
      %get3A_768 = vector.shape_cast %get3A_767 : vector<1x16xf32> to vector<16xf32>
      %add3A_769 = arith.addf %get3A_763, %get3A_768 : vector<16xf32>
      %swap3A_770 = arith.constant 0 : index
      %swap3A_771 = tpu.vector_load %arg7[%swap3A_770] {strides = array<i32>} : memref<16xf32, #tpu.memory_space<vmem>>, vector<16xf32>,
      %swap3A_772 = vector.shape_cast %swap3A_771 : vector<16xf32> to vector<16xf32>
      %swap3A_773 = vector.shape_cast %add3A_769 : vector<16xf32> to vector<16xf32>
      tpu.vector_store %arg7[%swap3A_770], %swap3A_773 {strides = array<i32>} : memref<16xf32, #tpu.memory_space<vmem>>, vector<16xf32>,
      %dma_wait3A_774 = arith.constant 6 : i32
      %dma_wait3A_775 = arith.constant 6 : i32
      %dma_wait3A_776 = arith.constant 0 : i32
      %dma_wait3A_777 = tpu.memref_slice %arg6[%dma_wait3A_775, %dma_wait3A_776] : memref<8x128xf32, #tpu.memory_space<vmem>> -> memref<1x128xf32, #tpu.memory_space<vmem>>
      %dma_wait3A_778 = tpu.memref_squeeze %dma_wait3A_777 : memref<1x128xf32, #tpu.memory_space<vmem>> -> memref<128xf32, #tpu.memory_space<vmem>>
      %dma_wait3A_779 = arith.constant 0 : i32
      %dma_wait3A_780 = tpu.memref_slice %arg5[%dma_wait3A_774, %dma_wait3A_779] : memref<8x128xi32, #tpu.memory_space<vmem>> -> memref<1x128xi32, #tpu.memory_space<vmem>>
      %dma_wait3A_781 = tpu.memref_squeeze %dma_wait3A_780 : memref<1x128xi32, #tpu.memory_space<vmem>> -> memref<128xi32, #tpu.memory_space<vmem>>
      %dma_wait3A_782 = arith.constant 0 : i32
      %dma_wait3A_783 = tpu.memref_slice %arg3[%dma_wait3A_782] : memref<10816xf32, #tpu.memory_space<hbm>> -> memref<10816xf32, #tpu.memory_space<hbm>>
      tpu.wait_indirect_dma semaphore(%arg8 : memref<!tpu.dma_semaphore, #tpu.memory_space<semaphore_mem>>) src(%dma_wait3A_783 : memref<10816xf32, #tpu.memory_space<hbm>>) dst(%dma_wait3A_778 : memref<128xf32, #tpu.memory_space<vmem>>)
      %get3A_784 = arith.constant 0 : index
      %get3A_785 = tpu.vector_load %arg7[%get3A_784] {strides = array<i32>} : memref<16xf32, #tpu.memory_space<vmem>>, vector<16xf32>,
      %get3A_786 = vector.shape_cast %get3A_785 : vector<16xf32> to vector<16xf32>
      %get3A_787 = arith.constant 6 : i32
      %get3A_788 = arith.index_cast %get3A_787 : i32 to index
      %get3A_789 = arith.constant 0 : index
      %get3A_790 = tpu.vector_load %arg6[%get3A_788, %get3A_789] {strides = array<i32>} : memref<8x128xf32, #tpu.memory_space<vmem>>, vector<1x16xf32>,
      %get3A_791 = vector.shape_cast %get3A_790 : vector<1x16xf32> to vector<16xf32>
      %add3A_792 = arith.addf %get3A_786, %get3A_791 : vector<16xf32>
      %swap3A_793 = arith.constant 0 : index
      %swap3A_794 = tpu.vector_load %arg7[%swap3A_793] {strides = array<i32>} : memref<16xf32, #tpu.memory_space<vmem>>, vector<16xf32>,
      %swap3A_795 = vector.shape_cast %swap3A_794 : vector<16xf32> to vector<16xf32>
      %swap3A_796 = vector.shape_cast %add3A_792 : vector<16xf32> to vector<16xf32>
      tpu.vector_store %arg7[%swap3A_793], %swap3A_796 {strides = array<i32>} : memref<16xf32, #tpu.memory_space<vmem>>, vector<16xf32>,
      %get3A_797 = arith.constant 0 : index
      %get3A_798 = tpu.vector_load %arg7[%get3A_797] {strides = array<i32>} : memref<16xf32, #tpu.memory_space<vmem>>, vector<16xf32>,
      %get3A_799 = vector.shape_cast %get3A_798 : vector<16xf32> to vector<16xf32>
      %get3A_800 = arith.constant 6 : i32
      %get3A_801 = arith.index_cast %get3A_800 : i32 to index
      %get3A_802 = arith.constant 16 : index
      %get3A_803 = tpu.vector_load %arg6[%get3A_801, %get3A_802] {strides = array<i32>} : memref<8x128xf32, #tpu.memory_space<vmem>>, vector<1x16xf32>,
      %get3A_804 = vector.shape_cast %get3A_803 : vector<1x16xf32> to vector<16xf32>
      %add3A_805 = arith.addf %get3A_799, %get3A_804 : vector<16xf32>
      %swap3A_806 = arith.constant 0 : index
      %swap3A_807 = tpu.vector_load %arg7[%swap3A_806] {strides = array<i32>} : memref<16xf32, #tpu.memory_space<vmem>>, vector<16xf32>,
      %swap3A_808 = vector.shape_cast %swap3A_807 : vector<16xf32> to vector<16xf32>
      %swap3A_809 = vector.shape_cast %add3A_805 : vector<16xf32> to vector<16xf32>
      tpu.vector_store %arg7[%swap3A_806], %swap3A_809 {strides = array<i32>} : memref<16xf32, #tpu.memory_space<vmem>>, vector<16xf32>,
      %get3A_810 = arith.constant 0 : index
      %get3A_811 = tpu.vector_load %arg7[%get3A_810] {strides = array<i32>} : memref<16xf32, #tpu.memory_space<vmem>>, vector<16xf32>,
      %get3A_812 = vector.shape_cast %get3A_811 : vector<16xf32> to vector<16xf32>
      %get3A_813 = arith.constant 6 : i32
      %get3A_814 = arith.index_cast %get3A_813 : i32 to index
      %get3A_815 = arith.constant 32 : index
      %get3A_816 = tpu.vector_load %arg6[%get3A_814, %get3A_815] {strides = array<i32>} : memref<8x128xf32, #tpu.memory_space<vmem>>, vector<1x16xf32>,
      %get3A_817 = vector.shape_cast %get3A_816 : vector<1x16xf32> to vector<16xf32>
      %add3A_818 = arith.addf %get3A_812, %get3A_817 : vector<16xf32>
      %swap3A_819 = arith.constant 0 : index
      %swap3A_820 = tpu.vector_load %arg7[%swap3A_819] {strides = array<i32>} : memref<16xf32, #tpu.memory_space<vmem>>, vector<16xf32>,
      %swap3A_821 = vector.shape_cast %swap3A_820 : vector<16xf32> to vector<16xf32>
      %swap3A_822 = vector.shape_cast %add3A_818 : vector<16xf32> to vector<16xf32>
      tpu.vector_store %arg7[%swap3A_819], %swap3A_822 {strides = array<i32>} : memref<16xf32, #tpu.memory_space<vmem>>, vector<16xf32>,
      %get3A_823 = arith.constant 0 : index
      %get3A_824 = tpu.vector_load %arg7[%get3A_823] {strides = array<i32>} : memref<16xf32, #tpu.memory_space<vmem>>, vector<16xf32>,
      %get3A_825 = vector.shape_cast %get3A_824 : vector<16xf32> to vector<16xf32>
      %get3A_826 = arith.constant 6 : i32
      %get3A_827 = arith.index_cast %get3A_826 : i32 to index
      %get3A_828 = arith.constant 48 : index
      %get3A_829 = tpu.vector_load %arg6[%get3A_827, %get3A_828] {strides = array<i32>} : memref<8x128xf32, #tpu.memory_space<vmem>>, vector<1x16xf32>,
      %get3A_830 = vector.shape_cast %get3A_829 : vector<1x16xf32> to vector<16xf32>
      %add3A_831 = arith.addf %get3A_825, %get3A_830 : vector<16xf32>
      %swap3A_832 = arith.constant 0 : index
      %swap3A_833 = tpu.vector_load %arg7[%swap3A_832] {strides = array<i32>} : memref<16xf32, #tpu.memory_space<vmem>>, vector<16xf32>,
      %swap3A_834 = vector.shape_cast %swap3A_833 : vector<16xf32> to vector<16xf32>
      %swap3A_835 = vector.shape_cast %add3A_831 : vector<16xf32> to vector<16xf32>
      tpu.vector_store %arg7[%swap3A_832], %swap3A_835 {strides = array<i32>} : memref<16xf32, #tpu.memory_space<vmem>>, vector<16xf32>,
      %get3A_836 = arith.constant 0 : index
      %get3A_837 = tpu.vector_load %arg7[%get3A_836] {strides = array<i32>} : memref<16xf32, #tpu.memory_space<vmem>>, vector<16xf32>,
      %get3A_838 = vector.shape_cast %get3A_837 : vector<16xf32> to vector<16xf32>
      %get3A_839 = arith.constant 6 : i32
      %get3A_840 = arith.index_cast %get3A_839 : i32 to index
      %get3A_841 = arith.constant 64 : index
      %get3A_842 = tpu.vector_load %arg6[%get3A_840, %get3A_841] {strides = array<i32>} : memref<8x128xf32, #tpu.memory_space<vmem>>, vector<1x16xf32>,
      %get3A_843 = vector.shape_cast %get3A_842 : vector<1x16xf32> to vector<16xf32>
      %add3A_844 = arith.addf %get3A_838, %get3A_843 : vector<16xf32>
      %swap3A_845 = arith.constant 0 : index
      %swap3A_846 = tpu.vector_load %arg7[%swap3A_845] {strides = array<i32>} : memref<16xf32, #tpu.memory_space<vmem>>, vector<16xf32>,
      %swap3A_847 = vector.shape_cast %swap3A_846 : vector<16xf32> to vector<16xf32>
      %swap3A_848 = vector.shape_cast %add3A_844 : vector<16xf32> to vector<16xf32>
      tpu.vector_store %arg7[%swap3A_845], %swap3A_848 {strides = array<i32>} : memref<16xf32, #tpu.memory_space<vmem>>, vector<16xf32>,
      %get3A_849 = arith.constant 0 : index
      %get3A_850 = tpu.vector_load %arg7[%get3A_849] {strides = array<i32>} : memref<16xf32, #tpu.memory_space<vmem>>, vector<16xf32>,
      %get3A_851 = vector.shape_cast %get3A_850 : vector<16xf32> to vector<16xf32>
      %get3A_852 = arith.constant 6 : i32
      %get3A_853 = arith.index_cast %get3A_852 : i32 to index
      %get3A_854 = arith.constant 80 : index
      %get3A_855 = tpu.vector_load %arg6[%get3A_853, %get3A_854] {strides = array<i32>} : memref<8x128xf32, #tpu.memory_space<vmem>>, vector<1x16xf32>,
      %get3A_856 = vector.shape_cast %get3A_855 : vector<1x16xf32> to vector<16xf32>
      %add3A_857 = arith.addf %get3A_851, %get3A_856 : vector<16xf32>
      %swap3A_858 = arith.constant 0 : index
      %swap3A_859 = tpu.vector_load %arg7[%swap3A_858] {strides = array<i32>} : memref<16xf32, #tpu.memory_space<vmem>>, vector<16xf32>,
      %swap3A_860 = vector.shape_cast %swap3A_859 : vector<16xf32> to vector<16xf32>
      %swap3A_861 = vector.shape_cast %add3A_857 : vector<16xf32> to vector<16xf32>
      tpu.vector_store %arg7[%swap3A_858], %swap3A_861 {strides = array<i32>} : memref<16xf32, #tpu.memory_space<vmem>>, vector<16xf32>,
      %get3A_862 = arith.constant 0 : index
      %get3A_863 = tpu.vector_load %arg7[%get3A_862] {strides = array<i32>} : memref<16xf32, #tpu.memory_space<vmem>>, vector<16xf32>,
      %get3A_864 = vector.shape_cast %get3A_863 : vector<16xf32> to vector<16xf32>
      %get3A_865 = arith.constant 6 : i32
      %get3A_866 = arith.index_cast %get3A_865 : i32 to index
      %get3A_867 = arith.constant 96 : index
      %get3A_868 = tpu.vector_load %arg6[%get3A_866, %get3A_867] {strides = array<i32>} : memref<8x128xf32, #tpu.memory_space<vmem>>, vector<1x16xf32>,
      %get3A_869 = vector.shape_cast %get3A_868 : vector<1x16xf32> to vector<16xf32>
      %add3A_870 = arith.addf %get3A_864, %get3A_869 : vector<16xf32>
      %swap3A_871 = arith.constant 0 : index
      %swap3A_872 = tpu.vector_load %arg7[%swap3A_871] {strides = array<i32>} : memref<16xf32, #tpu.memory_space<vmem>>, vector<16xf32>,
      %swap3A_873 = vector.shape_cast %swap3A_872 : vector<16xf32> to vector<16xf32>
      %swap3A_874 = vector.shape_cast %add3A_870 : vector<16xf32> to vector<16xf32>
      tpu.vector_store %arg7[%swap3A_871], %swap3A_874 {strides = array<i32>} : memref<16xf32, #tpu.memory_space<vmem>>, vector<16xf32>,
      %get3A_875 = arith.constant 0 : index
      %get3A_876 = tpu.vector_load %arg7[%get3A_875] {strides = array<i32>} : memref<16xf32, #tpu.memory_space<vmem>>, vector<16xf32>,
      %get3A_877 = vector.shape_cast %get3A_876 : vector<16xf32> to vector<16xf32>
      %get3A_878 = arith.constant 6 : i32
      %get3A_879 = arith.index_cast %get3A_878 : i32 to index
      %get3A_880 = arith.constant 112 : index
      %get3A_881 = tpu.vector_load %arg6[%get3A_879, %get3A_880] {strides = array<i32>} : memref<8x128xf32, #tpu.memory_space<vmem>>, vector<1x16xf32>,
      %get3A_882 = vector.shape_cast %get3A_881 : vector<1x16xf32> to vector<16xf32>
      %add3A_883 = arith.addf %get3A_877, %get3A_882 : vector<16xf32>
      %swap3A_884 = arith.constant 0 : index
      %swap3A_885 = tpu.vector_load %arg7[%swap3A_884] {strides = array<i32>} : memref<16xf32, #tpu.memory_space<vmem>>, vector<16xf32>,
      %swap3A_886 = vector.shape_cast %swap3A_885 : vector<16xf32> to vector<16xf32>
      %swap3A_887 = vector.shape_cast %add3A_883 : vector<16xf32> to vector<16xf32>
      tpu.vector_store %arg7[%swap3A_884], %swap3A_887 {strides = array<i32>} : memref<16xf32, #tpu.memory_space<vmem>>, vector<16xf32>,
      %dma_wait3A_888 = arith.constant 7 : i32
      %dma_wait3A_889 = arith.constant 7 : i32
      %dma_wait3A_890 = arith.constant 0 : i32
      %dma_wait3A_891 = tpu.memref_slice %arg6[%dma_wait3A_889, %dma_wait3A_890] : memref<8x128xf32, #tpu.memory_space<vmem>> -> memref<1x128xf32, #tpu.memory_space<vmem>>
      %dma_wait3A_892 = tpu.memref_squeeze %dma_wait3A_891 : memref<1x128xf32, #tpu.memory_space<vmem>> -> memref<128xf32, #tpu.memory_space<vmem>>
      %dma_wait3A_893 = arith.constant 0 : i32
      %dma_wait3A_894 = tpu.memref_slice %arg5[%dma_wait3A_888, %dma_wait3A_893] : memref<8x128xi32, #tpu.memory_space<vmem>> -> memref<1x128xi32, #tpu.memory_space<vmem>>
      %dma_wait3A_895 = tpu.memref_squeeze %dma_wait3A_894 : memref<1x128xi32, #tpu.memory_space<vmem>> -> memref<128xi32, #tpu.memory_space<vmem>>
      %dma_wait3A_896 = arith.constant 0 : i32
      %dma_wait3A_897 = tpu.memref_slice %arg3[%dma_wait3A_896] : memref<10816xf32, #tpu.memory_space<hbm>> -> memref<10816xf32, #tpu.memory_space<hbm>>
      tpu.wait_indirect_dma semaphore(%arg8 : memref<!tpu.dma_semaphore, #tpu.memory_space<semaphore_mem>>) src(%dma_wait3A_897 : memref<10816xf32, #tpu.memory_space<hbm>>) dst(%dma_wait3A_892 : memref<128xf32, #tpu.memory_space<vmem>>)
      %get3A_898 = arith.constant 0 : index
      %get3A_899 = tpu.vector_load %arg7[%get3A_898] {strides = array<i32>} : memref<16xf32, #tpu.memory_space<vmem>>, vector<16xf32>,
      %get3A_900 = vector.shape_cast %get3A_899 : vector<16xf32> to vector<16xf32>
      %get3A_901 = arith.constant 7 : i32
      %get3A_902 = arith.index_cast %get3A_901 : i32 to index
      %get3A_903 = arith.constant 0 : index
      %get3A_904 = tpu.vector_load %arg6[%get3A_902, %get3A_903] {strides = array<i32>} : memref<8x128xf32, #tpu.memory_space<vmem>>, vector<1x16xf32>,
      %get3A_905 = vector.shape_cast %get3A_904 : vector<1x16xf32> to vector<16xf32>
      %add3A_906 = arith.addf %get3A_900, %get3A_905 : vector<16xf32>
      %swap3A_907 = arith.constant 0 : index
      %swap3A_908 = tpu.vector_load %arg7[%swap3A_907] {strides = array<i32>} : memref<16xf32, #tpu.memory_space<vmem>>, vector<16xf32>,
      %swap3A_909 = vector.shape_cast %swap3A_908 : vector<16xf32> to vector<16xf32>
      %swap3A_910 = vector.shape_cast %add3A_906 : vector<16xf32> to vector<16xf32>
      tpu.vector_store %arg7[%swap3A_907], %swap3A_910 {strides = array<i32>} : memref<16xf32, #tpu.memory_space<vmem>>, vector<16xf32>,
      %get3A_911 = arith.constant 0 : index
      %get3A_912 = tpu.vector_load %arg7[%get3A_911] {strides = array<i32>} : memref<16xf32, #tpu.memory_space<vmem>>, vector<16xf32>,
      %get3A_913 = vector.shape_cast %get3A_912 : vector<16xf32> to vector<16xf32>
      %get3A_914 = arith.constant 7 : i32
      %get3A_915 = arith.index_cast %get3A_914 : i32 to index
      %get3A_916 = arith.constant 16 : index
      %get3A_917 = tpu.vector_load %arg6[%get3A_915, %get3A_916] {strides = array<i32>} : memref<8x128xf32, #tpu.memory_space<vmem>>, vector<1x16xf32>,
      %get3A_918 = vector.shape_cast %get3A_917 : vector<1x16xf32> to vector<16xf32>
      %add3A_919 = arith.addf %get3A_913, %get3A_918 : vector<16xf32>
      %swap3A_920 = arith.constant 0 : index
      %swap3A_921 = tpu.vector_load %arg7[%swap3A_920] {strides = array<i32>} : memref<16xf32, #tpu.memory_space<vmem>>, vector<16xf32>,
      %swap3A_922 = vector.shape_cast %swap3A_921 : vector<16xf32> to vector<16xf32>
      %swap3A_923 = vector.shape_cast %add3A_919 : vector<16xf32> to vector<16xf32>
      tpu.vector_store %arg7[%swap3A_920], %swap3A_923 {strides = array<i32>} : memref<16xf32, #tpu.memory_space<vmem>>, vector<16xf32>,
      %get3A_924 = arith.constant 0 : index
      %get3A_925 = tpu.vector_load %arg7[%get3A_924] {strides = array<i32>} : memref<16xf32, #tpu.memory_space<vmem>>, vector<16xf32>,
      %get3A_926 = vector.shape_cast %get3A_925 : vector<16xf32> to vector<16xf32>
      %get3A_927 = arith.constant 7 : i32
      %get3A_928 = arith.index_cast %get3A_927 : i32 to index
      %get3A_929 = arith.constant 32 : index
      %get3A_930 = tpu.vector_load %arg6[%get3A_928, %get3A_929] {strides = array<i32>} : memref<8x128xf32, #tpu.memory_space<vmem>>, vector<1x16xf32>,
      %get3A_931 = vector.shape_cast %get3A_930 : vector<1x16xf32> to vector<16xf32>
      %add3A_932 = arith.addf %get3A_926, %get3A_931 : vector<16xf32>
      %swap3A_933 = arith.constant 0 : index
      %swap3A_934 = tpu.vector_load %arg7[%swap3A_933] {strides = array<i32>} : memref<16xf32, #tpu.memory_space<vmem>>, vector<16xf32>,
      %swap3A_935 = vector.shape_cast %swap3A_934 : vector<16xf32> to vector<16xf32>
      %swap3A_936 = vector.shape_cast %add3A_932 : vector<16xf32> to vector<16xf32>
      tpu.vector_store %arg7[%swap3A_933], %swap3A_936 {strides = array<i32>} : memref<16xf32, #tpu.memory_space<vmem>>, vector<16xf32>,
      %get3A_937 = arith.constant 0 : index
      %get3A_938 = tpu.vector_load %arg7[%get3A_937] {strides = array<i32>} : memref<16xf32, #tpu.memory_space<vmem>>, vector<16xf32>,
      %get3A_939 = vector.shape_cast %get3A_938 : vector<16xf32> to vector<16xf32>
      %get3A_940 = arith.constant 7 : i32
      %get3A_941 = arith.index_cast %get3A_940 : i32 to index
      %get3A_942 = arith.constant 48 : index
      %get3A_943 = tpu.vector_load %arg6[%get3A_941, %get3A_942] {strides = array<i32>} : memref<8x128xf32, #tpu.memory_space<vmem>>, vector<1x16xf32>,
      %get3A_944 = vector.shape_cast %get3A_943 : vector<1x16xf32> to vector<16xf32>
      %add3A_945 = arith.addf %get3A_939, %get3A_944 : vector<16xf32>
      %swap3A_946 = arith.constant 0 : index
      %swap3A_947 = tpu.vector_load %arg7[%swap3A_946] {strides = array<i32>} : memref<16xf32, #tpu.memory_space<vmem>>, vector<16xf32>,
      %swap3A_948 = vector.shape_cast %swap3A_947 : vector<16xf32> to vector<16xf32>
      %swap3A_949 = vector.shape_cast %add3A_945 : vector<16xf32> to vector<16xf32>
      tpu.vector_store %arg7[%swap3A_946], %swap3A_949 {strides = array<i32>} : memref<16xf32, #tpu.memory_space<vmem>>, vector<16xf32>,
      %get3A_950 = arith.constant 0 : index
      %get3A_951 = tpu.vector_load %arg7[%get3A_950] {strides = array<i32>} : memref<16xf32, #tpu.memory_space<vmem>>, vector<16xf32>,
      %get3A_952 = vector.shape_cast %get3A_951 : vector<16xf32> to vector<16xf32>
      %get3A_953 = arith.constant 7 : i32
      %get3A_954 = arith.index_cast %get3A_953 : i32 to index
      %get3A_955 = arith.constant 64 : index
      %get3A_956 = tpu.vector_load %arg6[%get3A_954, %get3A_955] {strides = array<i32>} : memref<8x128xf32, #tpu.memory_space<vmem>>, vector<1x16xf32>,
      %get3A_957 = vector.shape_cast %get3A_956 : vector<1x16xf32> to vector<16xf32>
      %add3A_958 = arith.addf %get3A_952, %get3A_957 : vector<16xf32>
      %swap3A_959 = arith.constant 0 : index
      %swap3A_960 = tpu.vector_load %arg7[%swap3A_959] {strides = array<i32>} : memref<16xf32, #tpu.memory_space<vmem>>, vector<16xf32>,
      %swap3A_961 = vector.shape_cast %swap3A_960 : vector<16xf32> to vector<16xf32>
      %swap3A_962 = vector.shape_cast %add3A_958 : vector<16xf32> to vector<16xf32>
      tpu.vector_store %arg7[%swap3A_959], %swap3A_962 {strides = array<i32>} : memref<16xf32, #tpu.memory_space<vmem>>, vector<16xf32>,
      %get3A_963 = arith.constant 0 : index
      %get3A_964 = tpu.vector_load %arg7[%get3A_963] {strides = array<i32>} : memref<16xf32, #tpu.memory_space<vmem>>, vector<16xf32>,
      %get3A_965 = vector.shape_cast %get3A_964 : vector<16xf32> to vector<16xf32>
      %get3A_966 = arith.constant 7 : i32
      %get3A_967 = arith.index_cast %get3A_966 : i32 to index
      %get3A_968 = arith.constant 80 : index
      %get3A_969 = tpu.vector_load %arg6[%get3A_967, %get3A_968] {strides = array<i32>} : memref<8x128xf32, #tpu.memory_space<vmem>>, vector<1x16xf32>,
      %get3A_970 = vector.shape_cast %get3A_969 : vector<1x16xf32> to vector<16xf32>
      %add3A_971 = arith.addf %get3A_965, %get3A_970 : vector<16xf32>
      %swap3A_972 = arith.constant 0 : index
      %swap3A_973 = tpu.vector_load %arg7[%swap3A_972] {strides = array<i32>} : memref<16xf32, #tpu.memory_space<vmem>>, vector<16xf32>,
      %swap3A_974 = vector.shape_cast %swap3A_973 : vector<16xf32> to vector<16xf32>
      %swap3A_975 = vector.shape_cast %add3A_971 : vector<16xf32> to vector<16xf32>
      tpu.vector_store %arg7[%swap3A_972], %swap3A_975 {strides = array<i32>} : memref<16xf32, #tpu.memory_space<vmem>>, vector<16xf32>,
      %get3A_976 = arith.constant 0 : index
      %get3A_977 = tpu.vector_load %arg7[%get3A_976] {strides = array<i32>} : memref<16xf32, #tpu.memory_space<vmem>>, vector<16xf32>,
      %get3A_978 = vector.shape_cast %get3A_977 : vector<16xf32> to vector<16xf32>
      %get3A_979 = arith.constant 7 : i32
      %get3A_980 = arith.index_cast %get3A_979 : i32 to index
      %get3A_981 = arith.constant 96 : index
      %get3A_982 = tpu.vector_load %arg6[%get3A_980, %get3A_981] {strides = array<i32>} : memref<8x128xf32, #tpu.memory_space<vmem>>, vector<1x16xf32>,
      %get3A_983 = vector.shape_cast %get3A_982 : vector<1x16xf32> to vector<16xf32>
      %add3A_984 = arith.addf %get3A_978, %get3A_983 : vector<16xf32>
      %swap3A_985 = arith.constant 0 : index
      %swap3A_986 = tpu.vector_load %arg7[%swap3A_985] {strides = array<i32>} : memref<16xf32, #tpu.memory_space<vmem>>, vector<16xf32>,
      %swap3A_987 = vector.shape_cast %swap3A_986 : vector<16xf32> to vector<16xf32>
      %swap3A_988 = vector.shape_cast %add3A_984 : vector<16xf32> to vector<16xf32>
      tpu.vector_store %arg7[%swap3A_985], %swap3A_988 {strides = array<i32>} : memref<16xf32, #tpu.memory_space<vmem>>, vector<16xf32>,
      %get3A_989 = arith.constant 0 : index
      %get3A_990 = tpu.vector_load %arg7[%get3A_989] {strides = array<i32>} : memref<16xf32, #tpu.memory_space<vmem>>, vector<16xf32>,
      %get3A_991 = vector.shape_cast %get3A_990 : vector<16xf32> to vector<16xf32>
      %get3A_992 = arith.constant 7 : i32
      %get3A_993 = arith.index_cast %get3A_992 : i32 to index
      %get3A_994 = arith.constant 112 : index
      %get3A_995 = tpu.vector_load %arg6[%get3A_993, %get3A_994] {strides = array<i32>} : memref<8x128xf32, #tpu.memory_space<vmem>>, vector<1x16xf32>,
      %get3A_996 = vector.shape_cast %get3A_995 : vector<1x16xf32> to vector<16xf32>
      %add3A_997 = arith.addf %get3A_991, %get3A_996 : vector<16xf32>
      %swap3A_998 = arith.constant 0 : index
      %swap3A_999 = tpu.vector_load %arg7[%swap3A_998] {strides = array<i32>} : memref<16xf32, #tpu.memory_space<vmem>>, vector<16xf32>,
      %swap3A_1000 = vector.shape_cast %swap3A_999 : vector<16xf32> to vector<16xf32>
      %swap3A_1001 = vector.shape_cast %add3A_997 : vector<16xf32> to vector<16xf32>
      tpu.vector_store %arg7[%swap3A_998], %swap3A_1001 {strides = array<i32>} : memref<16xf32, #tpu.memory_space<vmem>>, vector<16xf32>,
    }
    %scan3A_9 = arith.constant 25 : i32
    "tpu.region"() ({
      %run_scoped3A = tpu.sem_alloc : memref<!tpu.dma_semaphore, #tpu.memory_space<semaphore_mem>>
      %dma_start3A = arith.constant 0 : i32
      %dma_start3A_10 = tpu.memref_slice %arg4[%add3A, %dma_start3A] : memref<32x16xf32, #tpu.memory_space<hbm>> -> memref<1x16xf32, #tpu.memory_space<hbm>>
      %dma_start3A_11 = tpu.memref_squeeze %dma_start3A_10 : memref<1x16xf32, #tpu.memory_space<hbm>> -> memref<16xf32, #tpu.memory_space<hbm>>
      %dma_start3A_12 = arith.constant 0 : i32
      %dma_start3A_13 = tpu.memref_slice %arg4[%add3A, %dma_start3A_12] : memref<32x16xf32, #tpu.memory_space<hbm>> -> memref<1x16xf32, #tpu.memory_space<hbm>>
      %dma_start3A_14 = tpu.memref_squeeze %dma_start3A_13 : memref<1x16xf32, #tpu.memory_space<hbm>> -> memref<16xf32, #tpu.memory_space<hbm>>
      tpu.enqueue_dma source(%arg7 : memref<16xf32, #tpu.memory_space<vmem>>) target(%dma_start3A_14 : memref<16xf32, #tpu.memory_space<hbm>>) target_semaphore(%run_scoped3A : memref<!tpu.dma_semaphore, #tpu.memory_space<semaphore_mem>>)
      %dma_wait3A = arith.constant 0 : i32
      %dma_wait3A_15 = tpu.memref_slice %arg4[%add3A, %dma_wait3A] : memref<32x16xf32, #tpu.memory_space<hbm>> -> memref<1x16xf32, #tpu.memory_space<hbm>>
      %dma_wait3A_16 = tpu.memref_squeeze %dma_wait3A_15 : memref<1x16xf32, #tpu.memory_space<hbm>> -> memref<16xf32, #tpu.memory_space<hbm>>
      %dma_wait3A_17 = arith.constant 0 : i32
      %dma_wait3A_18 = tpu.memref_slice %arg4[%add3A, %dma_wait3A_17] : memref<32x16xf32, #tpu.memory_space<hbm>> -> memref<1x16xf32, #tpu.memory_space<hbm>>
      %dma_wait3A_19 = tpu.memref_squeeze %dma_wait3A_18 : memref<1x16xf32, #tpu.memory_space<hbm>> -> memref<16xf32, #tpu.memory_space<hbm>>
      tpu.wait_dma2 semaphore(%run_scoped3A : memref<!tpu.dma_semaphore, #tpu.memory_space<semaphore_mem>>) src(%arg7 : memref<16xf32, #tpu.memory_space<vmem>>) dst(%dma_wait3A_19 : memref<16xf32, #tpu.memory_space<hbm>>)
      tpu.yield
    }) : () -> ()
    return
  }
}

module attributes {stable_mosaic.version = 14 : i64} {
  func.func @_nll_table_body(%arg0: memref<104x104xf32, #tpu.memory_space<vmem>>, %arg1: memref<104x104xf32, #tpu.memory_space<vmem>>) attributes {dimension_semantics = [], scalar_prefetch = 0 : i64, scratch_operands = 0 : i64, tpu.core_type = #tpu.core_type<tc>} {
    %get3A = arith.constant 0 : index
    %get3A_0 = arith.constant 0 : index
    %get3A_1 = vector.load %arg0[%get3A, %get3A_0] : memref<104x104xf32, #tpu.memory_space<vmem>>, vector<104x104xf32>
    %reduce_max3A = arith.constant dense<0xFF800000> : vector<104xf32>
    %reduce_max3A_2 = vector.multi_reduction <maximumf>, %get3A_1, %reduce_max3A [1] : vector<104x104xf32> to vector<104xf32>
    %broadcast_in_dim3A = vector.shape_cast %reduce_max3A_2 : vector<104xf32> to vector<104x1xf32>
    %sub3A = vector.broadcast %broadcast_in_dim3A : vector<104x1xf32> to vector<104x104xf32>
    %sub3A_3 = arith.subf %get3A_1, %sub3A : vector<104x104xf32>
    %exp3A = math.exp %sub3A_3 : vector<104x104xf32>
    %reduce_sum3A = arith.constant dense<0.000000e+00> : vector<104xf32>
    %reduce_sum3A_4 = vector.multi_reduction <add>, %exp3A, %reduce_sum3A [1] : vector<104x104xf32> to vector<104xf32>
    %broadcast_in_dim3A_5 = vector.shape_cast %reduce_sum3A_4 : vector<104xf32> to vector<104x1xf32>
    %log3A = math.log %broadcast_in_dim3A_5 : vector<104x1xf32>
    %add3A = arith.addf %broadcast_in_dim3A, %log3A : vector<104x1xf32>
    %sub3A_6 = vector.broadcast %add3A : vector<104x1xf32> to vector<104x104xf32>
    %sub3A_7 = arith.subf %sub3A_6, %get3A_1 : vector<104x104xf32>
    %swap3A = arith.constant 0 : index
    %swap3A_8 = arith.constant 0 : index
    %swap3A_9 = vector.load %arg1[%swap3A, %swap3A_8] : memref<104x104xf32, #tpu.memory_space<vmem>>, vector<104x104xf32>
    tpu.vector_store %arg1[%swap3A, %swap3A_8], %sub3A_7 {strides = array<i32>} : memref<104x104xf32, #tpu.memory_space<vmem>>, vector<104x104xf32>,
    return
  }
}

module attributes {stable_mosaic.version = 14 : i64} {
  func.func @_logits_body(%arg0: i32, %arg1: memref<1x1x4096xi32, #tpu.memory_space<vmem>>, %arg2: memref<104x104xbf16, #tpu.memory_space<vmem>>, %arg3: memref<104x4096xf32, #tpu.memory_space<vmem>>) attributes {dimension_semantics = [#tpu.dimension_semantics<arbitrary>], iteration_bounds = array<i64: 200>, scalar_prefetch = 0 : i64, scratch_operands = 0 : i64, tpu.core_type = #tpu.core_type<tc>, window_params = [{transform_indices = @transform_0, window_bounds = array<i64: 1, 1, 4096>}, {pipeline_mode = #tpu.pipeline_mode<synchronous>, transform_indices = @transform_1, window_bounds = array<i64: 104, 104>}, {transform_indices = @transform_2, window_bounds = array<i64: 104, 4096>}]} {
    %get3A = arith.constant 0 : index
    %get3A_0 = arith.constant 0 : index
    %get3A_1 = arith.constant 0 : index
    %get3A_2 = vector.load %arg1[%get3A, %get3A_0, %get3A_1] : memref<1x1x4096xi32, #tpu.memory_space<vmem>>, vector<1x1x4096xi32>
    %get3A_3 = vector.shape_cast %get3A_2 : vector<1x1x4096xi32> to vector<4096xi32>
    %iota3A = tpu.iota {dimensions = array<i32: 0>} : vector<104x4096xi32>
    %broadcast_in_dim3A = vector.shape_cast %get3A_3 : vector<4096xi32> to vector<1x4096xi32>
    %eq3A = vector.broadcast %broadcast_in_dim3A : vector<1x4096xi32> to vector<104x4096xi32>
    %eq3A_4 = arith.cmpi eq, %iota3A, %eq3A : vector<104x4096xi32>
    %convert_element_type3A = arith.extui %eq3A_4 : vector<104x4096xi1> to vector<104x4096xi32>
    %convert_element_type3A_5 = arith.sitofp %convert_element_type3A : vector<104x4096xi32> to vector<104x4096xf32>
    %convert_element_type3A_6 = arith.truncf %convert_element_type3A_5 : vector<104x4096xf32> to vector<104x4096xbf16>
    %get3A_7 = arith.constant 0 : index
    %get3A_8 = arith.constant 0 : index
    %get3A_9 = vector.load %arg2[%get3A_7, %get3A_8] : memref<104x104xbf16, #tpu.memory_space<vmem>>, vector<104x104xbf16>
    %dot_general3A = arith.constant dense<0.000000e+00> : vector<104x4096xf32>
    %dot_general3A_10 = tpu.matmul %get3A_9, %convert_element_type3A_6, %dot_general3A {dimension_numbers = #tpu.dot_dimension_numbers<[0], [0], [1], [1], [0, 1, 1, 1], [], []>, transpose_lhs_hint = false} : vector<104x104xbf16>, vector<104x4096xbf16>, vector<104x4096xf32> -> vector<104x4096xf32>
    %swap3A = arith.constant 0 : index
    %swap3A_11 = arith.constant 0 : index
    %swap3A_12 = vector.load %arg3[%swap3A, %swap3A_11] : memref<104x4096xf32, #tpu.memory_space<vmem>>, vector<104x4096xf32>
    tpu.vector_store %arg3[%swap3A, %swap3A_11], %dot_general3A_10 {strides = array<i32>} : memref<104x4096xf32, #tpu.memory_space<vmem>>, vector<104x4096xf32>,
    return
  }
  func.func @transform_0(%arg0: i32) -> (i32, i32, i32) {
    %c0_i32 = arith.constant 0 : i32
    %c0_i32_0 = arith.constant 0 : i32
    %c0_i32_1 = arith.constant 0 : i32
    return %arg0, %c0_i32, %c0_i32_0 : i32, i32, i32
  }
  func.func @transform_1(%arg0: i32) -> (i32, i32) {
    %c0_i32 = arith.constant 0 : i32
    %c0_i32_0 = arith.constant 0 : i32
    %c0_i32_1 = arith.constant 0 : i32
    return %c0_i32, %c0_i32_0 : i32, i32
  }
  func.func @transform_2(%arg0: i32) -> (i32, i32) {
    %c0_i32 = arith.constant 0 : i32
    %c0_i32_0 = arith.constant 0 : i32
    return %c0_i32, %arg0 : i32, i32
  }
}

module attributes {stable_mosaic.version = 14 : i64} {
  func.func @_loss_body(%arg0: memref<32x16xf32, #tpu.memory_space<vmem>>, %arg1: memref<1x1xf32, #tpu.memory_space<vmem>>) attributes {dimension_semantics = [], scalar_prefetch = 0 : i64, scratch_operands = 0 : i64, tpu.core_type = #tpu.core_type<tc>} {
    %get3A = arith.constant 0 : index
    %get3A_0 = arith.constant 0 : index
    %get3A_1 = vector.load %arg0[%get3A, %get3A_0] : memref<32x16xf32, #tpu.memory_space<vmem>>, vector<32x16xf32>
    %reduce_sum3A = vector.shape_cast %get3A_1 : vector<32x16xf32> to vector<1x32x16xf32>
    %reduce_sum3A_2 = arith.constant dense<0.000000e+00> : vector<1xf32>
    %reduce_sum3A_3 = vector.multi_reduction <add>, %reduce_sum3A, %reduce_sum3A_2 [1, 2] : vector<1x32x16xf32> to vector<1xf32>
    %reduce_sum3A_4 = vector.shape_cast %reduce_sum3A_3 : vector<1xf32> to vector<1x1x1xf32>
    %reduce_sum3A_5 = vector.extract %reduce_sum3A_4[0, 0, 0] : f32 from vector<1x1x1xf32>
    %mul3A = arith.constant 1.2207031E-6 : f32
    %mul3A_6 = arith.mulf %reduce_sum3A_5, %mul3A : f32
    %reshape3A = vector.broadcast %mul3A_6 : f32 to vector<1x1xf32>
    %swap3A = arith.constant 0 : index
    %swap3A_7 = arith.constant 0 : index
    %swap3A_8 = vector.load %arg1[%swap3A, %swap3A_7] : memref<1x1xf32, #tpu.memory_space<vmem>>, vector<1x1xf32>
    tpu.vector_store %arg1[%swap3A, %swap3A_7], %reshape3A {strides = array<i32>} : memref<1x1xf32, #tpu.memory_space<vmem>>, vector<1x1xf32>,
    return
  }
}

</mosaic_0001>

<sc_bundles>
// kernel: kernel.6.cloned.1.call-start
scs
__scs_entry_jumppad:
0x0: {  	(pc) =	sbr.rel $0x88, $3  }
0x1: {  	(tag) =	ssettag $0x0;
	lr =	simm.s32 $0x1  }
0x2: {  	[smem:$0x3F9E] =	sst lr;
	_ =	strace $0xD0000000  }
0x3: {  	_ = 	snop  }
0x4: {  	_ = 	snop  }
0x5: {  	_ = 	snop  }
0x6: {  	_ = 	snop  }
0x7: {  	_ = 	snop  }
__scs_overlays_trampoline_lowered:
0x8: {  	[smem:$0x3FAD] =	sst s0  }
0x9: {  	[smem:$0x3FAE] =	sst s1  }
0xa: {  	[smem:$0x3FAF] =	sst s2  }
0xb: {  	[smem:$0x3FB0] =	sst s3  }
0xc: {  	[smem:$0x3FB1] =	sst s4  }
0xd: {  	[smem:$0x3FB2] =	sst s5  }
0xe: {  	[smem:$0x3FB3] =	sst s6  }
0xf: {  	[smem:$0x3FB4] =	sst s7  }
0x10: {  	[smem:$0x3FB5] =	sst s8  }
0x11: {  	[smem:$0x3FB6] =	sst s9;
	s0 =	simm.s32 @!p0 $0x0  }
0x12: {  	s1 =	sld [smem:$0x3F9C];
	s0 =	simm.s32 @p0 $0x1  }
0x13: {  	[smem:$0x3FB7] =	sst s0;
	s0 =	simm.s32 @!p1 $0x0  }
0x14: {  	s2 =	sld [smem:$0x3F9B];
	s0 =	simm.s32 @p1 $0x1  }
0x15: {  	[smem:$0x3FB8] =	sst s0;
	s0 =	simm.s32 @!p2 $0x0  }
0x16: {  	s3 =	sld [smem:$0x3FDB];
	s0 =	simm.s32 @p2 $0x1  }
0x17: {  	s4 =	simm.s32 $0x1BF5;
	[smem:$0x3FBA] =	sst s0  }
0x18: {  	s0 =	sld [smem:$0x3F9D];
	_ =	swait.ge [sflag:s4], $0x0  }
0x19: {  	s7 =	sld [smem:$0x3F9E]  }
0x1a: {  	s8 =	sadd.s32 $0xFFFFE003, lr  }
0x1b: {  	s9 =	sadd.s32 $0xFFFFFEF7, lr;
	s5 =	simm.s32 $0xFFFFFFFF;
	p2 =	slt.u32 s8, $0xFFFFF086  }
0x1c: {  	p1 =	slt.u32 s9, $0xF7A;
	s5 =	simm.s32 @!p2 $0x0  }
0x1d: {  	s5 =	simm.s32 @p1 $0x1;
	p0 =	seq.s32 s7, s2  }
0x1e: {  	s7 =	smul.u32 @!p0 $0xF7A, s2;
	p2 =	seq.s32 @!p0 s5, $0x0  }
0x1f: {  	s9 =	smul.u32 $0xF7A, s1;
	s8 =	simm.s32 @!p0 $0x1BF5;
	p2 =	por !p2, p0  }
0x20: {  	[sflag:s8] =	ssyncset.s32 @!p0 $0xFFFFF086;
	s6 =	sadd.s32 @!p0 s3, s7;
	s7 =	simm.s32 @!p0 $0x108  }
0x21: {  	s3 =	sadd.s32 s3, s9;
	s6 =	sadd.s32 @!p0 $0x88, s6;
	s7 =	simm.s32 @p2 $0x1082  }
0x22: {  	[simem:s7], [sflag:s8] =	dma.local @!p0 [hbm:s6], $0xF7A  }
0x23: {  	s9 =	sor.u32 $0xD0000000, s2;
	s6 =	simm.s32 $0x108;
	_ =	swait.ge @!p0 [sflag:s8], $0x0  }
0x24: {  	s3 =	sadd.s32 $0x88, s3;
	s6 =	simm.s32 @!p1 $0x1082;
	[sflag:s4] =	ssyncset.s32 $0xFFFFF086  }
0x25: {  	[simem:s6], [sflag:s4] =	dma.local [hbm:s3], $0xF7A  }
0x26: {  	[smem:$0x3F9E] =	sst s1;
	(tag) =	ssettag s2;
	_ =	strace s9  }
0x27: {  	s1 =	sld [smem:$0x3FAE]  }
0x28: {  	s2 =	sld [smem:$0x3FAF]  }
0x29: {  	s4 =	sld [smem:$0x3FB1]  }
0x2a: {  	p0 =	seq.s32 s5, $0x0;
	s5 =	sld [smem:$0x3FB2]  }
0x2b: {  	s6 =	sld [smem:$0x3FB3]  }
0x2c: {  	s7 =	sld [smem:$0x3FB4]  }
0x2d: {  	s3 =	simm.s32 $0x108;
	s8 =	sld [smem:$0x3FB5]  }
0x2e: {  	s3 =	simm.s32 @!p0 $0x1082;
	s9 =	sld [smem:$0x3FB6]  }
0x2f: {  	lr =	sadd.s32 s0, s3;
	s0 =	sld [smem:$0x3FAD]  }
0x30: {  	s3 =	sld [smem:$0x3FB0]  }
0x31: {  	[smem:$0x3FB9] =	sst s10  }
0x32: {  	s10 =	sld [smem:$0x3FB7];
	_ =	sdelay $0x3  }
0x33: {  	p0 =	seq.s32 s10, $0x1;
	s10 =	sld [smem:$0x3FB9];
	_ =	sdelay $0x3  }
0x34: {  	[smem:$0x3FB9] =	sst s10  }
0x35: {  	s10 =	sld [smem:$0x3FB8];
	_ =	sdelay $0x3  }
0x36: {  	p1 =	seq.s32 s10, $0x1;
	s10 =	sld [smem:$0x3FB9];
	_ =	sdelay $0x3  }
0x37: {  	[smem:$0x3FB9] =	sst s10  }
0x38: {  	s10 =	sld [smem:$0x3FBA]  }
0x39: {  	_ = 	snop;
	(pc) =	sbr.ind lr, $3  }
0x3a: {  	_ = 	snop  }
0x3b: {  	_ = 	snop  }
0x3c: {  	p2 =	seq.s32 s10, $0x1;
	s10 =	sld [smem:$0x3FB9]  }
0x3d: {  	_ =	shalt  }
0x3e: {  	_ =	shalt  }
0x3f: {  	_ =	shalt  }
0x40: {  	_ =	shalt  }
0x41: {  	_ =	shalt  }
0x42: {  	_ =	shalt  }
0x43: {  	_ =	shalt  }
0x44: {  	_ =	shalt  }
0x45: {  	_ =	shalt  }
0x46: {  	_ =	shalt  }
0x47: {  	_ =	shalt  }
0x48: {  	_ =	shalt  }
0x49: {  	_ =	shalt  }
0x4a: {  	_ =	shalt  }
0x4b: {  	_ =	shalt  }
0x4c: {  	_ =	shalt  }
0x4d: {  	_ =	shalt  }
0x4e: {  	_ =	shalt  }
0x4f: {  	_ =	shalt  }
0x50: {  	_ =	shalt  }
0x51: {  	_ =	shalt  }
0x52: {  	_ =	shalt  }
0x53: {  	_ =	shalt  }
0x54: {  	_ =	shalt  }
0x55: {  	_ =	shalt  }
0x56: {  	_ =	shalt  }
0x57: {  	_ =	shalt  }
0x58: {  	_ =	shalt  }
0x59: {  	_ =	shalt  }
0x5a: {  	_ =	shalt  }
0x5b: {  	_ =	shalt  }
0x5c: {  	_ =	shalt  }
0x5d: {  	_ =	shalt  }
0x5e: {  	_ =	shalt  }
0x5f: {  	_ =	shalt  }
0x60: {  	_ =	shalt  }
0x61: {  	_ =	shalt  }
0x62: {  	_ =	shalt  }
0x63: {  	_ =	shalt  }
0x64: {  	_ =	shalt  }
0x65: {  	_ =	shalt  }
0x66: {  	_ =	shalt  }
0x67: {  	_ =	shalt  }
0x68: {  	_ =	shalt  }
0x69: {  	_ =	shalt  }
0x6a: {  	_ =	shalt  }
0x6b: {  	_ =	shalt  }
0x6c: {  	_ =	shalt  }
0x6d: {  	_ =	shalt  }
0x6e: {  	_ =	shalt  }
0x6f: {  	_ =	shalt  }
0x70: {  	_ =	shalt  }
0x71: {  	_ =	shalt  }
0x72: {  	_ =	shalt  }
0x73: {  	_ =	shalt  }
0x74: {  	_ =	shalt  }
0x75: {  	_ =	shalt  }
0x76: {  	_ =	shalt  }
0x77: {  	_ =	shalt  }
0x78: {  	_ =	shalt  }
0x79: {  	_ =	shalt  }
0x7a: {  	_ =	shalt  }
0x7b: {  	_ =	shalt  }
0x7c: {  	_ =	shalt  }
0x7d: {  	_ =	shalt  }
0x7e: {  	_ =	shalt  }
0x7f: {  	_ =	shalt  }
0x80: {  	_ =	shalt  }
0x81: {  	_ =	shalt  }
0x82: {  	_ =	shalt  }
0x83: {  	_ =	shalt  }
0x84: {  	_ =	shalt  }
0x85: {  	_ =	shalt  }
0x86: {  	_ =	shalt  }
0x87: {  	_ =	shalt  }
.Lfunc_end0:
.L_simem_size_0:
called_computation_lowered:
.L_overlay_start_0:
0x88: {  	s2 =	sld [smem:$0x3FD9]  }
0x89: {  	s3 =	sld [smem:$0x3FFE];
	_ =	sdelay $0x1  }
0x8a: {  	s1 =	srdreg.scid  }
0x8b: {  	s0 =	sand.u32 $0x1, s1  }
0x8c: {  	s16 =	sshll.u32 s0, $0xA;
	s2 =	sadd.s32 s3, s2  }
0x8d: {  	s2 =	sadd.s32 s2, s16  }
0x8e: {  	[smem:$0x3FC5] =	sst s2  }
0x8f: {  	_ = 	snop  }
0x90: {  	(tm) =	ssettm $0x1  }
0x91: {  	s17 =	sld [smem:$0x3FFB];
	_ =	sdelay $0x3  }
0x92: {  	_ =	strace s17  }
0x93: {  	s2 =	sld [smem:$0x3FFC];
	_ =	sdelay $0x3  }
0x94: {  	_ =	strace s2  }
0x95: {  	s2 =	sld [smem:$0x3FFD];
	_ =	sdelay $0x3  }
0x96: {  	_ =	strace s2  }
0x97: {  	_ =	strace $0x8FFFFFFF  }
0x98: {  	s18 =	sld [smem:$0x3FDB];
	_ =	sdelay $0x1  }
0x99: {  	s19 =	simm.s32 $_scs_section_size  }
0x9a: {  	s4 =	simm.s32 $_size__tile_overlayer_lowered;
	s5 =	simm.s32 $_tile_overlayer_lowered  }
0x9b: {  	s22 =	simm.s32 $0x1BFF;
	s21 =	sshll.u32 s5, $0x1;
	s2 =	sadd.s32 s19, s18  }
0x9c: {  	s6 =	simm.s32 $0x0;
	s20 =	sshll.u32 s4, $0x1;
	s4 =	sadd.s32 s21, s2  }
0x9d: {  	[timem:s6], [sflag:s22] =	dma.local [hbm:s4], s20  }
0x9e: {  	_ =	swait.ge [sflag:s22], s20  }
0x9f: {  	s3 =	ssub.s32 $0x0, s20;
	[sflag:s22] =	ssyncset.done $0x0  }
0xa0: {  	[sflag:s22] =	ssyncadd.s32 s3;
	_ =	sdelay $0x1  }
0xa1: {  	s23 =	simm.s32 $0x1B8B  }
0xa2: {  	_ =	swait.ge [sflag:s23], $0x1  }
0xa3: {  	[sflag:s23] =	ssyncset.done $0x0  }
0xa4: {  	s25 =	simm.s32 $0x1B8E;
	s24 =	sld [smem:$0x3FFE];
	[sflag:s23] =	ssyncadd.s32 $0xFFFFFFFF  }
0xa5: {  	s26 =	simm.s32 $execute0_lowered;
	[smem:$0x3FD2] =	sst s25  }
0xa6: {  	s4 =	sshll.u32 s26, $0x1;
	_ =	strace $0x80000046;
	[dreg:$0x1] =	wrdreg $0xFFFFFFFF  }
0xa7: {  	s28 =	simm.s32 $_size_execute0_lowered;
	s2 =	sadd.s32 s2, s4;
	[dreg:$0x0] =	wrdreg $0x0  }
0xa8: {  	s4 =	sshll.u32 s28, $0x1;
	[dreg:$0x2] =	wrdreg s2  }
0xa9: {  	[dreg:$0x3] =	wrdreg s4  }
0xaa: {  	[dreg:$0x4] =	wrdreg $0xC0  }
0xab: {  	_ =	task [dreg:s6], $0x5FFFF  }
0xac: {  	[dreg:$0x1] =	wrdreg $0xFFFFFFFF  }
0xad: {  	[dreg:$0x0] =	wrdreg $0x60  }
0xae: {  	[dreg:$0x2] =	wrdreg s24  }
0xaf: {  	[dreg:$0x3] =	wrdreg $0x9  }
0xb0: {  	_ =	task.clear_ibuf [dreg:s6], $0x4FFFF;
	_ =	strace $0x90000046  }
0xb1: {  	s29 =	simm.s32 $0x9;
	_ =	strace $0x80000048  }
0xb2: {  	_ =	swait.ge [sflag:s29], $0x1  }
0xb3: {  	[sflag:s29] =	ssyncadd.s32 $0xFFFFFFFF  }
0xb4: {  	_ =	strace $0x90000048  }
0xb5: {  	_ =	sfence  }
0xb6: {  	s30 =	sld [smem:$0x0];
	_ =	sdelay $0x2  }
0xb7: {  	s31 =	sshll.u32 s1, $0xD;
	s1 =	sshrl.u32 s1, $0x2  }
0xb8: {  	s3 =	sand.u32 $0x4000, s31;
	s1 =	sadd.s32 s1, s30  }
0xb9: {  	s0 =	sor.u32 s3, s0;
	s1 =	sshll.u32 s1, $0x11  }
0xba: {  	s0 =	sor.u32 s1, s0  }
0xbb: {  	s0 =	sadd.s32 $0x8F2B, s0  }
0xbc: {  	[sflag:s0] =	ssyncadd.remote.s32 $0x1  }
0xbd: {  	_ =	sfence.sel $0xFFFF  }
0xbe: {  	[dreg:$0x0] =	wrdreg $0xFFFFFFFF;
	(pc) =	sbr.abs _section_cstart, $3  }
0xbf: {  	[dreg:$0x1] =	wrdreg $0xFFFFFFFF  }
0xc0: {  	_ =	task.clear_ibuf [dreg:s6], $0x2FFFF;
	_ =	strace $0x9FFFFFFF  }
0xc1: {  	(tm) =	ssettm $0x7FFFFFFF  }
tec
execute0_lowered:
.L_overlay_start_1:
0x0: {  	(tag) =	ssettag $0x1  }
0x1: {  	s3 =	rddreg [dreg:$0x0]  }
0x2: {  	s0 =	rddreg [dreg:$0x1]  }
0x3: {  	s4 =	srdreg.scid;
	s1 =	stileid.u32  }
0x4: {  	s2 =	simm.s32 $0x0;
	s8 =	simm.s32 $0x80;
	s9 =	simm.s32 $0x400  }
0x5: {  	s10 =	simm.s32 $0x480;
	s11 =	simm.s32 $0x100;
	s12 =	simm.s32 $0x500  }
0x6: {  	s13 =	simm.s32 $0x180;
	s14 =	simm.s32 $0x580;
	s15 =	simm.s32 $0x200  }
0x7: {  	s16 =	simm.s32 $0x600;
	s17 =	simm.s32 $0x280;
	s18 =	simm.s32 $0x680  }
0x8: {  	s19 =	simm.s32 $0x300;
	s20 =	simm.s32 $0x700;
	s21 =	simm.s32 $0x380  }
0x9: {  	s22 =	simm.s32 $0x780;
	s23 =	simm.s32 $0x1;
	s24 =	simm.s32 $0x800  }
0xa: {  	s25 =	simm.s32 $0x0;
	s4 =	sand.u32 $0x1, s4;
	s5 =	smul.u32 $0xC800, s1  }
0xb: {  	[smem:$0x7FF] =	sst s2;
	s28 =	sshll.u32 s1, $0x5;
	s6 =	smul.u32 $0x6400, s4  }
0xc: {  	_ =	strace $0x80000047;
	s7 =	sshll.u32 s4, $0x4;
	s4 =	ssub.s32 $0x2, s4  }
0xd: {  	s31 =	sshrl.u32 s4, $0x1;
	s5 =	sadd.s32 s6, s5;
	s6 =	sor.u32 s7, s28  }
0xe: {  	s7 =	simm.s32 $0x2;
	s5 =	sshrl.u32 s5, $0x3;
	s30 =	sadd.s32 s6, s3  }
0xf: {  	s6 =	ssub.s32 s4, s31;
	s29 =	sadd.s32 s5, s3;
	s3 =	sadd.s32 $0xA00, s3  }
0x10: {  	v0 =	vimm.f32 $0.0e+00;
	s4 =	sadd.s32 $0x1A000, s30;
	s5 =	smax.u32 s6, $0x1;
	s6 =	sadd.s32 $0x1000, s29  }
.LBB2_1:
0x11: {  	[tilespmem:$0x800] =	vst v0;
	s26 =	sadd.s32 $0x0, s6  }
0x12: {  	[tilespmem:s2], [sflag:$0x2] =	stream.linear.gather [hbm4b:s26+s2], $0x400, $0x38;
	[tilespmem:$0x880] =	vst v63  }
0x13: {  	_ =	swait.ge [sflag:s7], $0x400  }
0x14: {  	[sflag:s7] =	ssyncset.done $0x0  }
0x15: {  	[sflag:s7] =	ssyncadd.s32 $0xFFFFFC00  }
0x16: {  	[tilespmem:s9], [sflag:$0x1] =	stream.indirect.gather [hbm4b:s3+s8], $0x1, s2, s8, $0xb8;
	[tilespmem:$0x880] =	vst v63  }
0x17: {  	_ = 	snop  }
0x18: {  	[tilespmem:s10], [sflag:$0x1] =	stream.indirect.gather [hbm4b:s3+s8], $0x1, s8, s8, $0xb8;
	[tilespmem:$0x880] =	vst v63  }
0x19: {  	_ = 	snop  }
0x1a: {  	[tilespmem:s12], [sflag:$0x1] =	stream.indirect.gather [hbm4b:s3+s8], $0x1, s11, s8, $0xb8;
	[tilespmem:$0x880] =	vst v63  }
0x1b: {  	_ = 	snop  }
0x1c: {  	[tilespmem:s14], [sflag:$0x1] =	stream.indirect.gather [hbm4b:s3+s8], $0x1, s13, s8, $0xb8;
	[tilespmem:$0x880] =	vst v63  }
0x1d: {  	_ = 	snop  }
0x1e: {  	[tilespmem:s16], [sflag:$0x1] =	stream.indirect.gather [hbm4b:s3+s8], $0x1, s15, s8, $0xb8;
	[tilespmem:$0x880] =	vst v63  }
0x1f: {  	_ = 	snop  }
0x20: {  	[tilespmem:s18], [sflag:$0x1] =	stream.indirect.gather [hbm4b:s3+s8], $0x1, s17, s8, $0xb8;
	[tilespmem:$0x880] =	vst v63  }
0x21: {  	_ = 	snop  }
0x22: {  	[tilespmem:s20], [sflag:$0x1] =	stream.indirect.gather [hbm4b:s3+s8], $0x1, s19, s8, $0xb8;
	[tilespmem:$0x880] =	vst v63  }
0x23: {  	_ = 	snop  }
0x24: {  	[tilespmem:s22], [sflag:$0x1] =	stream.indirect.gather [hbm4b:s3+s8], $0x1, s21, s8, $0xb8;
	[tilespmem:$0x880] =	vst v63  }
0x25: {  	_ =	swait.ge [sflag:s23], $0x80  }
0x26: {  	[sflag:s23] =	ssyncset.done $0x0  }
0x27: {  	[sflag:s23] =	ssyncadd.s32 $0xFFFFFF80  }
0x28: {  	v1 =	vld [tilespmem:$0x800]  }
0x29: {  	v2 =	vld [tilespmem:$0x400];
	_ =	sdelay $0x1  }
0x2a: {  	v3 =	vld [tilespmem:$0x410];
	_ =	sdelay $0x1  }
0x2b: {  	v4 =	vld [tilespmem:$0x420]  }
0x2c: {  	v1 =	vadd.f32 v2, v1  }
0x2d: {  	v2 =	vld [tilespmem:$0x430]  }
0x2e: {  	v3 =	vadd.f32 v3, v1  }
0x2f: {  	v5 =	vld [tilespmem:$0x440]  }
0x30: {  	v4 =	vadd.f32 v4, v3  }
0x31: {  	v6 =	vld [tilespmem:$0x450]  }
0x32: {  	v2 =	vadd.f32 v2, v4  }
0x33: {  	v7 =	vld [tilespmem:$0x460]  }
0x34: {  	v5 =	vadd.f32 v5, v2  }
0x35: {  	v8 =	vld [tilespmem:$0x470];
	[tilespmem:$0x800] =	vst v1  }
0x36: {  	[tilespmem:$0x800] =	vst v3;
	v1 =	vadd.f32 v6, v5  }
0x37: {  	[tilespmem:$0x800] =	vst v4  }
0x38: {  	[tilespmem:$0x800] =	vst v2;
	v2 =	vadd.f32 v7, v1  }
0x39: {  	[tilespmem:$0x800] =	vst v5  }
0x3a: {  	[tilespmem:$0x800] =	vst v1;
	v1 =	vadd.f32 v8, v2  }
0x3b: {  	[tilespmem:$0x800] =	vst v2  }
0x3c: {  	[tilespmem:$0x800] =	vst v1  }
0x3d: {  	_ =	swait.ge [sflag:s23], $0x80  }
0x3e: {  	[sflag:s23] =	ssyncset.done $0x0  }
0x3f: {  	[sflag:s23] =	ssyncadd.s32 $0xFFFFFF80  }
0x40: {  	v2 =	vld [tilespmem:$0x480];
	_ =	sdelay $0x1  }
0x41: {  	v3 =	vld [tilespmem:$0x490];
	_ =	sdelay $0x1  }
0x42: {  	v29 =	vld [tilespmem:$0x4A0]  }
0x43: {  	v1 =	vadd.f32 v2, v1  }
0x44: {  	v2 =	vld [tilespmem:$0x4B0]  }
0x45: {  	v3 =	vadd.f32 v3, v1  }
0x46: {  	v30 =	vld [tilespmem:$0x4C0]  }
0x47: {  	v4 =	vadd.f32 v29, v3  }
0x48: {  	v31 =	vld [tilespmem:$0x4D0]  }
0x49: {  	v2 =	vadd.f32 v2, v4  }
0x4a: {  	v32 =	vld [tilespmem:$0x4E0]  }
0x4b: {  	v5 =	vadd.f32 v30, v2  }
0x4c: {  	v33 =	vld [tilespmem:$0x4F0];
	[tilespmem:$0x800] =	vst v1  }
0x4d: {  	[tilespmem:$0x800] =	vst v3;
	v1 =	vadd.f32 v31, v5  }
0x4e: {  	[tilespmem:$0x800] =	vst v4  }
0x4f: {  	[tilespmem:$0x800] =	vst v2;
	v2 =	vadd.f32 v32, v1  }
0x50: {  	[tilespmem:$0x800] =	vst v5  }
0x51: {  	[tilespmem:$0x800] =	vst v1;
	v1 =	vadd.f32 v33, v2  }
0x52: {  	[tilespmem:$0x800] =	vst v2  }
0x53: {  	[tilespmem:$0x800] =	vst v1  }
0x54: {  	_ =	swait.ge [sflag:s23], $0x80  }
0x55: {  	[sflag:s23] =	ssyncset.done $0x0  }
0x56: {  	[sflag:s23] =	ssyncadd.s32 $0xFFFFFF80  }
0x57: {  	v2 =	vld [tilespmem:$0x500];
	_ =	sdelay $0x1  }
0x58: {  	v3 =	vld [tilespmem:$0x510];
	_ =	sdelay $0x1  }
0x59: {  	v34 =	vld [tilespmem:$0x520]  }
0x5a: {  	v1 =	vadd.f32 v2, v1  }
0x5b: {  	v2 =	vld [tilespmem:$0x530]  }
0x5c: {  	v3 =	vadd.f32 v3, v1  }
0x5d: {  	v35 =	vld [tilespmem:$0x540]  }
0x5e: {  	v4 =	vadd.f32 v34, v3  }
0x5f: {  	v36 =	vld [tilespmem:$0x550]  }
0x60: {  	v2 =	vadd.f32 v2, v4  }
0x61: {  	v37 =	vld [tilespmem:$0x560]  }
0x62: {  	v5 =	vadd.f32 v35, v2  }
0x63: {  	v38 =	vld [tilespmem:$0x570];
	[tilespmem:$0x800] =	vst v1  }
0x64: {  	[tilespmem:$0x800] =	vst v3;
	v1 =	vadd.f32 v36, v5  }
0x65: {  	[tilespmem:$0x800] =	vst v4  }
0x66: {  	[tilespmem:$0x800] =	vst v2;
	v2 =	vadd.f32 v37, v1  }
0x67: {  	[tilespmem:$0x800] =	vst v5  }
0x68: {  	[tilespmem:$0x800] =	vst v1;
	v1 =	vadd.f32 v38, v2  }
0x69: {  	[tilespmem:$0x800] =	vst v2  }
0x6a: {  	[tilespmem:$0x800] =	vst v1  }
0x6b: {  	_ =	swait.ge [sflag:s23], $0x80  }
0x6c: {  	[sflag:s23] =	ssyncset.done $0x0  }
0x6d: {  	[sflag:s23] =	ssyncadd.s32 $0xFFFFFF80  }
0x6e: {  	v2 =	vld [tilespmem:$0x580];
	_ =	sdelay $0x1  }
0x6f: {  	v3 =	vld [tilespmem:$0x590];
	_ =	sdelay $0x1  }
0x70: {  	v39 =	vld [tilespmem:$0x5A0]  }
0x71: {  	v1 =	vadd.f32 v2, v1  }
0x72: {  	v2 =	vld [tilespmem:$0x5B0]  }
0x73: {  	v3 =	vadd.f32 v3, v1  }
0x74: {  	v40 =	vld [tilespmem:$0x5C0]  }
0x75: {  	v4 =	vadd.f32 v39, v3  }
0x76: {  	v41 =	vld [tilespmem:$0x5D0]  }
0x77: {  	v2 =	vadd.f32 v2, v4  }
0x78: {  	v42 =	vld [tilespmem:$0x5E0]  }
0x79: {  	v5 =	vadd.f32 v40, v2  }
0x7a: {  	v43 =	vld [tilespmem:$0x5F0];
	[tilespmem:$0x800] =	vst v1  }
0x7b: {  	[tilespmem:$0x800] =	vst v3;
	v1 =	vadd.f32 v41, v5  }
0x7c: {  	[tilespmem:$0x800] =	vst v4  }
0x7d: {  	[tilespmem:$0x800] =	vst v2;
	v2 =	vadd.f32 v42, v1  }
0x7e: {  	[tilespmem:$0x800] =	vst v5  }
0x7f: {  	[tilespmem:$0x800] =	vst v1;
	v1 =	vadd.f32 v43, v2  }
0x80: {  	[tilespmem:$0x800] =	vst v2  }
0x81: {  	[tilespmem:$0x800] =	vst v1  }
0x82: {  	_ =	swait.ge [sflag:s23], $0x80  }
0x83: {  	[sflag:s23] =	ssyncset.done $0x0  }
0x84: {  	[sflag:s23] =	ssyncadd.s32 $0xFFFFFF80  }
0x85: {  	v2 =	vld [tilespmem:$0x600];
	_ =	sdelay $0x1  }
0x86: {  	v3 =	vld [tilespmem:$0x610];
	_ =	sdelay $0x1  }
0x87: {  	v44 =	vld [tilespmem:$0x620]  }
0x88: {  	v1 =	vadd.f32 v2, v1  }
0x89: {  	v2 =	vld [tilespmem:$0x630]  }
0x8a: {  	v3 =	vadd.f32 v3, v1  }
0x8b: {  	v45 =	vld [tilespmem:$0x640]  }
0x8c: {  	v4 =	vadd.f32 v44, v3  }
0x8d: {  	v46 =	vld [tilespmem:$0x650]  }
0x8e: {  	v2 =	vadd.f32 v2, v4  }
0x8f: {  	v47 =	vld [tilespmem:$0x660]  }
0x90: {  	v5 =	vadd.f32 v45, v2  }
0x91: {  	v48 =	vld [tilespmem:$0x670];
	[tilespmem:$0x800] =	vst v1  }
0x92: {  	[tilespmem:$0x800] =	vst v3;
	v1 =	vadd.f32 v46, v5  }
0x93: {  	[tilespmem:$0x800] =	vst v4  }
0x94: {  	[tilespmem:$0x800] =	vst v2;
	v2 =	vadd.f32 v47, v1  }
0x95: {  	[tilespmem:$0x800] =	vst v5  }
0x96: {  	[tilespmem:$0x800] =	vst v1;
	v1 =	vadd.f32 v48, v2  }
0x97: {  	[tilespmem:$0x800] =	vst v2  }
0x98: {  	[tilespmem:$0x800] =	vst v1  }
0x99: {  	_ =	swait.ge [sflag:s23], $0x80  }
0x9a: {  	[sflag:s23] =	ssyncset.done $0x0  }
0x9b: {  	[sflag:s23] =	ssyncadd.s32 $0xFFFFFF80  }
0x9c: {  	v2 =	vld [tilespmem:$0x680];
	_ =	sdelay $0x1  }
0x9d: {  	v3 =	vld [tilespmem:$0x690];
	_ =	sdelay $0x1  }
0x9e: {  	v49 =	vld [tilespmem:$0x6A0]  }
0x9f: {  	v1 =	vadd.f32 v2, v1  }
0xa0: {  	v2 =	vld [tilespmem:$0x6B0]  }
0xa1: {  	v3 =	vadd.f32 v3, v1  }
0xa2: {  	v50 =	vld [tilespmem:$0x6C0]  }
0xa3: {  	v4 =	vadd.f32 v49, v3  }
0xa4: {  	v51 =	vld [tilespmem:$0x6D0]  }
0xa5: {  	v2 =	vadd.f32 v2, v4  }
0xa6: {  	v52 =	vld [tilespmem:$0x6E0]  }
0xa7: {  	v5 =	vadd.f32 v50, v2  }
0xa8: {  	v53 =	vld [tilespmem:$0x6F0];
	[tilespmem:$0x800] =	vst v1  }
0xa9: {  	[tilespmem:$0x800] =	vst v3;
	v1 =	vadd.f32 v51, v5  }
0xaa: {  	[tilespmem:$0x800] =	vst v4  }
0xab: {  	[tilespmem:$0x800] =	vst v2;
	v2 =	vadd.f32 v52, v1  }
0xac: {  	[tilespmem:$0x800] =	vst v5  }
0xad: {  	[tilespmem:$0x800] =	vst v1;
	v1 =	vadd.f32 v53, v2  }
0xae: {  	[tilespmem:$0x800] =	vst v2  }
0xaf: {  	[tilespmem:$0x800] =	vst v1  }
0xb0: {  	_ =	swait.ge [sflag:s23], $0x80  }
0xb1: {  	[sflag:s23] =	ssyncset.done $0x0  }
0xb2: {  	[sflag:s23] =	ssyncadd.s32 $0xFFFFFF80  }
0xb3: {  	v2 =	vld [tilespmem:$0x700];
	_ =	sdelay $0x1  }
0xb4: {  	v3 =	vld [tilespmem:$0x710];
	_ =	sdelay $0x1  }
0xb5: {  	v54 =	vld [tilespmem:$0x720]  }
0xb6: {  	v1 =	vadd.f32 v2, v1  }
0xb7: {  	v2 =	vld [tilespmem:$0x730]  }
0xb8: {  	v3 =	vadd.f32 v3, v1  }
0xb9: {  	v55 =	vld [tilespmem:$0x740]  }
0xba: {  	v4 =	vadd.f32 v54, v3  }
0xbb: {  	v56 =	vld [tilespmem:$0x750]  }
0xbc: {  	v2 =	vadd.f32 v2, v4  }
0xbd: {  	v57 =	vld [tilespmem:$0x760]  }
0xbe: {  	v5 =	vadd.f32 v55, v2  }
0xbf: {  	v58 =	vld [tilespmem:$0x770];
	[tilespmem:$0x800] =	vst v1  }
0xc0: {  	[tilespmem:$0x800] =	vst v3;
	v1 =	vadd.f32 v56, v5  }
0xc1: {  	[tilespmem:$0x800] =	vst v4  }
0xc2: {  	[tilespmem:$0x800] =	vst v2;
	v2 =	vadd.f32 v57, v1  }
0xc3: {  	[tilespmem:$0x800] =	vst v5  }
0xc4: {  	[tilespmem:$0x800] =	vst v1;
	v1 =	vadd.f32 v58, v2  }
0xc5: {  	[tilespmem:$0x800] =	vst v2  }
0xc6: {  	[tilespmem:$0x800] =	vst v1  }
0xc7: {  	_ =	swait.ge [sflag:s23], $0x80  }
0xc8: {  	[sflag:s23] =	ssyncset.done $0x0  }
0xc9: {  	[sflag:s23] =	ssyncadd.s32 $0xFFFFFF80  }
0xca: {  	v2 =	vld [tilespmem:$0x780];
	_ =	sdelay $0x1  }
0xcb: {  	v3 =	vld [tilespmem:$0x790];
	_ =	sdelay $0x1  }
0xcc: {  	v59 =	vld [tilespmem:$0x7A0]  }
0xcd: {  	v1 =	vadd.f32 v2, v1  }
0xce: {  	v2 =	vld [tilespmem:$0x7B0]  }
0xcf: {  	v3 =	vadd.f32 v3, v1  }
0xd0: {  	v60 =	vld [tilespmem:$0x7C0]  }
0xd1: {  	v4 =	vadd.f32 v59, v3  }
0xd2: {  	v61 =	vld [tilespmem:$0x7D0]  }
0xd3: {  	v2 =	vadd.f32 v2, v4  }
0xd4: {  	v62 =	vld [tilespmem:$0x7E0]  }
0xd5: {  	[tilespmem:$0x800] =	vst v1;
	v1 =	vadd.f32 v60, v2  }
0xd6: {  	v63 =	vld [tilespmem:$0x7F0];
	[tilespmem:$0x800] =	vst v3  }
0xd7: {  	[tilespmem:$0x800] =	vst v4;
	v3 =	vadd.f32 v61, v1  }
0xd8: {  	[tilespmem:$0x800] =	vst v2  }
0xd9: {  	[tilespmem:$0x800] =	vst v1;
	v1 =	vadd.f32 v62, v3  }
0xda: {  	[tilespmem:$0x800] =	vst v3  }
0xdb: {  	s26 =	simm.s32 $0x80;
	[tilespmem:$0x800] =	vst v1;
	v1 =	vadd.f32 v63, v1  }
.LBB2_2:
0xdc: {  	p0 =	sne.s32 s26, $0xC00;
	s28 =	smov.u32 s26;
	s26 =	sadd.s32 $0x80, s26  }
0xdd: {  	s28 =	sadd.s32 s28, s6;
	[tilespmem:$0x800] =	vst v1  }
0xde: {  	[tilespmem:s2], [sflag:$0x2] =	stream.linear.gather [hbm4b:s28+s2], $0x400, $0x38;
	[tilespmem:$0x880] =	vst v63  }
0xdf: {  	_ =	swait.ge [sflag:s7], $0x400  }
0xe0: {  	[sflag:s7] =	ssyncset.done $0x0  }
0xe1: {  	[sflag:s7] =	ssyncadd.s32 $0xFFFFFC00  }
0xe2: {  	[tilespmem:s9], [sflag:$0x1] =	stream.indirect.gather [hbm4b:s3+s8], $0x1, s2, s8, $0xb8;
	[tilespmem:$0x880] =	vst v63  }
0xe3: {  	_ = 	snop  }
0xe4: {  	[tilespmem:s10], [sflag:$0x1] =	stream.indirect.gather [hbm4b:s3+s8], $0x1, s8, s8, $0xb8;
	[tilespmem:$0x880] =	vst v63  }
0xe5: {  	_ = 	snop  }
0xe6: {  	[tilespmem:s12], [sflag:$0x1] =	stream.indirect.gather [hbm4b:s3+s8], $0x1, s11, s8, $0xb8;
	[tilespmem:$0x880] =	vst v63  }
0xe7: {  	_ = 	snop  }
0xe8: {  	[tilespmem:s14], [sflag:$0x1] =	stream.indirect.gather [hbm4b:s3+s8], $0x1, s13, s8, $0xb8;
	[tilespmem:$0x880] =	vst v63  }
0xe9: {  	_ = 	snop  }
0xea: {  	[tilespmem:s16], [sflag:$0x1] =	stream.indirect.gather [hbm4b:s3+s8], $0x1, s15, s8, $0xb8;
	[tilespmem:$0x880] =	vst v63  }
0xeb: {  	_ = 	snop  }
0xec: {  	[tilespmem:s18], [sflag:$0x1] =	stream.indirect.gather [hbm4b:s3+s8], $0x1, s17, s8, $0xb8;
	[tilespmem:$0x880] =	vst v63  }
0xed: {  	_ = 	snop  }
0xee: {  	[tilespmem:s20], [sflag:$0x1] =	stream.indirect.gather [hbm4b:s3+s8], $0x1, s19, s8, $0xb8;
	[tilespmem:$0x880] =	vst v63  }
0xef: {  	_ = 	snop  }
0xf0: {  	[tilespmem:s22], [sflag:$0x1] =	stream.indirect.gather [hbm4b:s3+s8], $0x1, s21, s8, $0xb8;
	[tilespmem:$0x880] =	vst v63  }
0xf1: {  	_ =	swait.ge [sflag:s23], $0x80  }
0xf2: {  	[sflag:s23] =	ssyncset.done $0x0  }
0xf3: {  	[sflag:s23] =	ssyncadd.s32 $0xFFFFFF80  }
0xf4: {  	v1 =	vld [tilespmem:$0x800]  }
0xf5: {  	v2 =	vld [tilespmem:$0x400]  }
0xf6: {  	v3 =	vld [tilespmem:$0x410]  }
0xf7: {  	v4 =	vld [tilespmem:$0x420]  }
0xf8: {  	v5 =	vld [tilespmem:$0x430]  }
0xf9: {  	v6 =	vld [tilespmem:$0x440]  }
0xfa: {  	v1 =	vadd.f32 v2, v1;
	v2 =	vld [tilespmem:$0x450]  }
0xfb: {  	v7 =	vld [tilespmem:$0x460]  }
0xfc: {  	v3 =	vadd.f32 v3, v1;
	v8 =	vld [tilespmem:$0x470];
	_ =	sdelay $0x1  }
0xfd: {  	v4 =	vadd.f32 v4, v3  }
0xfe: {  	[tilespmem:$0x800] =	vst v1  }
0xff: {  	[tilespmem:$0x800] =	vst v3;
	v1 =	vadd.f32 v5, v4  }
0x100: {  	[tilespmem:$0x800] =	vst v4  }
0x101: {  	[tilespmem:$0x800] =	vst v1;
	v1 =	vadd.f32 v6, v1;
	_ =	sdelay $0x1  }
0x102: {  	[tilespmem:$0x800] =	vst v1;
	v1 =	vadd.f32 v2, v1;
	_ =	sdelay $0x1  }
0x103: {  	[tilespmem:$0x800] =	vst v1;
	v1 =	vadd.f32 v7, v1;
	_ =	sdelay $0x1  }
0x104: {  	[tilespmem:$0x800] =	vst v1;
	v1 =	vadd.f32 v8, v1;
	_ =	sdelay $0x1  }
0x105: {  	[tilespmem:$0x800] =	vst v1  }
0x106: {  	_ =	swait.ge [sflag:s23], $0x80  }
0x107: {  	[sflag:s23] =	ssyncset.done $0x0  }
0x108: {  	[sflag:s23] =	ssyncadd.s32 $0xFFFFFF80  }
0x109: {  	v2 =	vld [tilespmem:$0x480]  }
0x10a: {  	v3 =	vld [tilespmem:$0x490]  }
0x10b: {  	v4 =	vld [tilespmem:$0x4A0]  }
0x10c: {  	v5 =	vld [tilespmem:$0x4B0]  }
0x10d: {  	v6 =	vld [tilespmem:$0x4C0]  }
0x10e: {  	v1 =	vadd.f32 v2, v1;
	v2 =	vld [tilespmem:$0x4D0]  }
0x10f: {  	v7 =	vld [tilespmem:$0x4E0]  }
0x110: {  	v3 =	vadd.f32 v3, v1;
	v8 =	vld [tilespmem:$0x4F0];
	_ =	sdelay $0x1  }
0x111: {  	v4 =	vadd.f32 v4, v3;
	_ =	sdelay $0x1  }
0x112: {  	[tilespmem:$0x800] =	vst v1;
	v1 =	vadd.f32 v5, v4  }
0x113: {  	[tilespmem:$0x800] =	vst v3  }
0x114: {  	[tilespmem:$0x800] =	vst v4;
	v3 =	vadd.f32 v6, v1  }
0x115: {  	[tilespmem:$0x800] =	vst v1  }
0x116: {  	[tilespmem:$0x800] =	vst v3;
	v1 =	vadd.f32 v2, v3;
	_ =	sdelay $0x1  }
0x117: {  	[tilespmem:$0x800] =	vst v1;
	v1 =	vadd.f32 v7, v1;
	_ =	sdelay $0x1  }
0x118: {  	[tilespmem:$0x800] =	vst v1;
	v1 =	vadd.f32 v8, v1;
	_ =	sdelay $0x1  }
0x119: {  	[tilespmem:$0x800] =	vst v1  }
0x11a: {  	_ =	swait.ge [sflag:s23], $0x80  }
0x11b: {  	[sflag:s23] =	ssyncset.done $0x0  }
0x11c: {  	[sflag:s23] =	ssyncadd.s32 $0xFFFFFF80  }
0x11d: {  	v2 =	vld [tilespmem:$0x500]  }
0x11e: {  	v3 =	vld [tilespmem:$0x510]  }
0x11f: {  	v4 =	vld [tilespmem:$0x520]  }
0x120: {  	v5 =	vld [tilespmem:$0x530]  }
0x121: {  	v6 =	vld [tilespmem:$0x540]  }
0x122: {  	v1 =	vadd.f32 v2, v1;
	v2 =	vld [tilespmem:$0x550]  }
0x123: {  	v7 =	vld [tilespmem:$0x560]  }
0x124: {  	v3 =	vadd.f32 v3, v1;
	v8 =	vld [tilespmem:$0x570];
	_ =	sdelay $0x1  }
0x125: {  	v4 =	vadd.f32 v4, v3;
	_ =	sdelay $0x1  }
0x126: {  	[tilespmem:$0x800] =	vst v1;
	v1 =	vadd.f32 v5, v4  }
0x127: {  	[tilespmem:$0x800] =	vst v3  }
0x128: {  	[tilespmem:$0x800] =	vst v4;
	v3 =	vadd.f32 v6, v1  }
0x129: {  	[tilespmem:$0x800] =	vst v1  }
0x12a: {  	[tilespmem:$0x800] =	vst v3;
	v1 =	vadd.f32 v2, v3;
	_ =	sdelay $0x1  }
0x12b: {  	[tilespmem:$0x800] =	vst v1;
	v1 =	vadd.f32 v7, v1;
	_ =	sdelay $0x1  }
0x12c: {  	[tilespmem:$0x800] =	vst v1;
	v1 =	vadd.f32 v8, v1;
	_ =	sdelay $0x1  }
0x12d: {  	[tilespmem:$0x800] =	vst v1  }
0x12e: {  	_ =	swait.ge [sflag:s23], $0x80  }
0x12f: {  	[sflag:s23] =	ssyncset.done $0x0  }
0x130: {  	[sflag:s23] =	ssyncadd.s32 $0xFFFFFF80  }
0x131: {  	v2 =	vld [tilespmem:$0x580]  }
0x132: {  	v3 =	vld [tilespmem:$0x590]  }
0x133: {  	v4 =	vld [tilespmem:$0x5A0]  }
0x134: {  	v5 =	vld [tilespmem:$0x5B0]  }
0x135: {  	v6 =	vld [tilespmem:$0x5C0]  }
0x136: {  	v1 =	vadd.f32 v2, v1;
	v2 =	vld [tilespmem:$0x5D0]  }
0x137: {  	v7 =	vld [tilespmem:$0x5E0]  }
0x138: {  	v3 =	vadd.f32 v3, v1;
	v8 =	vld [tilespmem:$0x5F0];
	_ =	sdelay $0x1  }
0x139: {  	v4 =	vadd.f32 v4, v3;
	_ =	sdelay $0x1  }
0x13a: {  	[tilespmem:$0x800] =	vst v1;
	v1 =	vadd.f32 v5, v4  }
0x13b: {  	[tilespmem:$0x800] =	vst v3  }
0x13c: {  	[tilespmem:$0x800] =	vst v4;
	v3 =	vadd.f32 v6, v1  }
0x13d: {  	[tilespmem:$0x800] =	vst v1  }
0x13e: {  	[tilespmem:$0x800] =	vst v3;
	v1 =	vadd.f32 v2, v3;
	_ =	sdelay $0x1  }
0x13f: {  	[tilespmem:$0x800] =	vst v1;
	v1 =	vadd.f32 v7, v1;
	_ =	sdelay $0x1  }
0x140: {  	[tilespmem:$0x800] =	vst v1;
	v1 =	vadd.f32 v8, v1;
	_ =	sdelay $0x1  }
0x141: {  	[tilespmem:$0x800] =	vst v1  }
0x142: {  	_ =	swait.ge [sflag:s23], $0x80  }
0x143: {  	[sflag:s23] =	ssyncset.done $0x0  }
0x144: {  	[sflag:s23] =	ssyncadd.s32 $0xFFFFFF80  }
0x145: {  	v2 =	vld [tilespmem:$0x600]  }
0x146: {  	v3 =	vld [tilespmem:$0x610]  }
0x147: {  	v4 =	vld [tilespmem:$0x620]  }
0x148: {  	v5 =	vld [tilespmem:$0x630]  }
0x149: {  	v6 =	vld [tilespmem:$0x640]  }
0x14a: {  	v1 =	vadd.f32 v2, v1;
	v2 =	vld [tilespmem:$0x650]  }
0x14b: {  	v7 =	vld [tilespmem:$0x660]  }
0x14c: {  	v3 =	vadd.f32 v3, v1;
	v8 =	vld [tilespmem:$0x670];
	_ =	sdelay $0x1  }
0x14d: {  	v4 =	vadd.f32 v4, v3;
	_ =	sdelay $0x1  }
0x14e: {  	[tilespmem:$0x800] =	vst v1;
	v1 =	vadd.f32 v5, v4  }
0x14f: {  	[tilespmem:$0x800] =	vst v3  }
0x150: {  	[tilespmem:$0x800] =	vst v4;
	v3 =	vadd.f32 v6, v1  }
0x151: {  	[tilespmem:$0x800] =	vst v1  }
0x152: {  	[tilespmem:$0x800] =	vst v3;
	v1 =	vadd.f32 v2, v3;
	_ =	sdelay $0x1  }
0x153: {  	[tilespmem:$0x800] =	vst v1;
	v1 =	vadd.f32 v7, v1;
	_ =	sdelay $0x1  }
0x154: {  	[tilespmem:$0x800] =	vst v1;
	v1 =	vadd.f32 v8, v1;
	_ =	sdelay $0x1  }
0x155: {  	[tilespmem:$0x800] =	vst v1  }
0x156: {  	_ =	swait.ge [sflag:s23], $0x80  }
0x157: {  	[sflag:s23] =	ssyncset.done $0x0  }
0x158: {  	[sflag:s23] =	ssyncadd.s32 $0xFFFFFF80  }
0x159: {  	v2 =	vld [tilespmem:$0x680]  }
0x15a: {  	v3 =	vld [tilespmem:$0x690]  }
0x15b: {  	v4 =	vld [tilespmem:$0x6A0]  }
0x15c: {  	v5 =	vld [tilespmem:$0x6B0]  }
0x15d: {  	v6 =	vld [tilespmem:$0x6C0]  }
0x15e: {  	v1 =	vadd.f32 v2, v1;
	v2 =	vld [tilespmem:$0x6D0]  }
0x15f: {  	v7 =	vld [tilespmem:$0x6E0]  }
0x160: {  	v3 =	vadd.f32 v3, v1;
	v8 =	vld [tilespmem:$0x6F0];
	_ =	sdelay $0x1  }
0x161: {  	v4 =	vadd.f32 v4, v3;
	_ =	sdelay $0x1  }
0x162: {  	[tilespmem:$0x800] =	vst v1;
	v1 =	vadd.f32 v5, v4  }
0x163: {  	[tilespmem:$0x800] =	vst v3  }
0x164: {  	[tilespmem:$0x800] =	vst v4;
	v3 =	vadd.f32 v6, v1  }
0x165: {  	[tilespmem:$0x800] =	vst v1  }
0x166: {  	[tilespmem:$0x800] =	vst v3;
	v1 =	vadd.f32 v2, v3;
	_ =	sdelay $0x1  }
0x167: {  	[tilespmem:$0x800] =	vst v1;
	v1 =	vadd.f32 v7, v1;
	_ =	sdelay $0x1  }
0x168: {  	[tilespmem:$0x800] =	vst v1;
	v1 =	vadd.f32 v8, v1;
	_ =	sdelay $0x1  }
0x169: {  	[tilespmem:$0x800] =	vst v1  }
0x16a: {  	_ =	swait.ge [sflag:s23], $0x80  }
0x16b: {  	[sflag:s23] =	ssyncset.done $0x0  }
0x16c: {  	[sflag:s23] =	ssyncadd.s32 $0xFFFFFF80  }
0x16d: {  	v2 =	vld [tilespmem:$0x700]  }
0x16e: {  	v3 =	vld [tilespmem:$0x710]  }
0x16f: {  	v4 =	vld [tilespmem:$0x720]  }
0x170: {  	v5 =	vld [tilespmem:$0x730]  }
0x171: {  	v6 =	vld [tilespmem:$0x740]  }
0x172: {  	v1 =	vadd.f32 v2, v1;
	v2 =	vld [tilespmem:$0x750]  }
0x173: {  	v7 =	vld [tilespmem:$0x760]  }
0x174: {  	v3 =	vadd.f32 v3, v1;
	v8 =	vld [tilespmem:$0x770];
	_ =	sdelay $0x1  }
0x175: {  	v4 =	vadd.f32 v4, v3;
	_ =	sdelay $0x1  }
0x176: {  	[tilespmem:$0x800] =	vst v1;
	v1 =	vadd.f32 v5, v4  }
0x177: {  	[tilespmem:$0x800] =	vst v3  }
0x178: {  	[tilespmem:$0x800] =	vst v4;
	v3 =	vadd.f32 v6, v1  }
0x179: {  	[tilespmem:$0x800] =	vst v1  }
0x17a: {  	[tilespmem:$0x800] =	vst v3;
	v1 =	vadd.f32 v2, v3;
	_ =	sdelay $0x1  }
0x17b: {  	[tilespmem:$0x800] =	vst v1;
	v1 =	vadd.f32 v7, v1;
	_ =	sdelay $0x1  }
0x17c: {  	[tilespmem:$0x800] =	vst v1;
	v1 =	vadd.f32 v8, v1;
	_ =	sdelay $0x1  }
0x17d: {  	[tilespmem:$0x800] =	vst v1  }
0x17e: {  	_ =	swait.ge [sflag:s23], $0x80  }
0x17f: {  	[sflag:s23] =	ssyncset.done $0x0  }
0x180: {  	[sflag:s23] =	ssyncadd.s32 $0xFFFFFF80  }
0x181: {  	v2 =	vld [tilespmem:$0x780]  }
0x182: {  	v3 =	vld [tilespmem:$0x790]  }
0x183: {  	v4 =	vld [tilespmem:$0x7A0]  }
0x184: {  	v5 =	vld [tilespmem:$0x7B0]  }
0x185: {  	v6 =	vld [tilespmem:$0x7C0]  }
0x186: {  	v1 =	vadd.f32 v2, v1;
	v2 =	vld [tilespmem:$0x7D0]  }
0x187: {  	v7 =	vld [tilespmem:$0x7E0]  }
0x188: {  	v3 =	vadd.f32 v3, v1;
	v8 =	vld [tilespmem:$0x7F0];
	_ =	sdelay $0x1  }
0x189: {  	v4 =	vadd.f32 v4, v3  }
0x18a: {  	[tilespmem:$0x800] =	vst v1  }
0x18b: {  	[tilespmem:$0x800] =	vst v3;
	v1 =	vadd.f32 v5, v4  }
0x18c: {  	[tilespmem:$0x800] =	vst v4  }
0x18d: {  	[tilespmem:$0x800] =	vst v1;
	v1 =	vadd.f32 v6, v1;
	_ =	sdelay $0x1  }
.Ltmp0:
0x18e: {  	[tilespmem:$0x800] =	vst v1;
	v1 =	vadd.f32 v2, v1;
	(pc) =	sbr.rel @p0 .LBB2_2-.Ltmp0, $3  }
0x18f: {  	_ = 	snop  }
0x190: {  	[tilespmem:$0x800] =	vst v1;
	v1 =	vadd.f32 v7, v1;
	_ =	sdelay $0x1  }
0x191: {  	[tilespmem:$0x800] =	vst v1;
	v1 =	vadd.f32 v8, v1  }
0x192: {  	s25 =	sadd.s32 $0x1, s25  }
0x193: {  	p0 =	sne.s32 s25, s5  }
.Ltmp1:
0x194: {  	[tilespmem:$0x800] =	vst v1;
	(pc) =	sbr.rel @p0 .LBB2_1-.Ltmp1, $4  }
0x195: {  	[hbm4b:s4+s2] =	stream.linear.scatter [tilespmem:s24], [sflag:$0x2], $0x80, $0x38;
	[tilespmem:$0x880] =	vst v63  }
0x196: {  	_ =	swait.ge [sflag:s7], $0x80  }
0x197: {  	[sflag:s7] =	ssyncset.done $0x0  }
0x198: {  	[sflag:s7] =	ssyncadd.s32 $0xFFFFFF80  }
0x199: {  	_ =	sfence.sel $0x180000  }
0x19a: {  	[bflag:$0x0] =	sbarrier.arrive $0xFFFF  }
0x19b: {  	p0 =	sne.s32 s1, $0x0;
	_ =	strace $0x90000047  }
0x19c: {  	s0 =	sadd.s32 @!p0 $0x100000, s0;
	[bflag:$0x2] =	sbarrier.arrive $0xFFFF  }
0x19d: {  	[sflag:s0] =	ssyncadd.tile.s32 @!p0 $0x1;
	_ =	shalt  }
.Lfunc_end2:
_tile_overlayer_lowered:
.L_overlay_start_2:
0x19e: {  	(tag) =	ssettag $0x2  }
0x19f: {  	s0 =	rddreg [dreg:$0x0];
	s2 =	stileid.u32  }
0x1a0: {  	s1 =	rddreg [dreg:$0x1];
	p0 =	sne.s32 s2, $0x0  }
0x1a1: {  	s3 =	rddreg [dreg:$0x2];
	[bflag:$0x3] =	sbarrier.arrive $0xFFFF;
	s2 =	simm.s32 @!p0 $0x1C02  }
0x1a2: {  	[timem:s3], [sflag:s2] =	dma.local @!p0 [hbm:s0], s1  }
0x1a3: {  	s0 =	simm.s32 @!p0 $0x2  }
0x1a4: {  	_ =	swait.ge @!p0 [sflag:s0], s1  }
0x1a5: {  	s1 =	ssub.s32 @!p0 $0x0, s1;
	[sflag:s0] =	ssyncset.done @!p0 $0x0  }
0x1a6: {  	[sflag:s0] =	ssyncadd.s32 @!p0 s1  }
0x1a7: {  	[bflag:$0x3] =	sbarrier.arrive $0xFFFF  }
0x1a8: {  	_ =	shalt  }

</sc_bundles>
